<compile_context>
chip_gen: v7x
topology: tpu7x:2x2x1
jax: 0.10.2.dev20260603
libtpu: 0.0.44.dev20260713+nightly
codegen_flags: <defaults>
</compile_context>

<pallas_src>
import functools

import jax
import jax.numpy as jnp
from jax import lax
from jax.experimental import pallas as pl
from jax.experimental.pallas import tpu as pltpu
from jax.experimental.pallas import tpu_sc as plsc

NUM_SCENES = 1000000
LATENT = 64
BATCH = 16384
LANES = 16
NUM_CORES = 2
NUM_SUBCORES = 16
NUM_WORKERS = NUM_CORES * NUM_SUBCORES
BPW = BATCH // NUM_WORKERS
VECS_PER_ROW = LATENT // LANES
CHUNK = 16

_GATHER_DNUMS = lax.GatherDimensionNumbers(
    offset_dims=(), collapsed_slice_dims=(0,), start_index_map=(0,)
)


def _permute(v, idx):
    return lax.gather(
        v,
        idx[:, None],
        _GATHER_DNUMS,
        (1,),
        mode=lax.GatherScatterMode.PROMISE_IN_BOUNDS,
    )


def _rsqrt(x):
    i = lax.bitcast_convert_type(x, jnp.int32)
    i = jnp.int32(0x5F3759DF) - lax.shift_right_arithmetic(i, 1)
    y = lax.bitcast_convert_type(i, jnp.float32)
    for _ in range(3):
        y = y * (1.5 - 0.5 * x * y * y)
    return y


@functools.partial(
    pl.kernel,
    out_type=jax.ShapeDtypeStruct((BATCH, LATENT), jnp.float32),
    mesh=plsc.VectorSubcoreMesh(core_axis_name="c", subcore_axis_name="s"),
    scratch_types=[
        pltpu.VMEM((BPW,), jnp.int32),
        pltpu.VMEM((BPW, LATENT), jnp.float32),
        pltpu.SemaphoreType.DMA,
    ],
)
def _gather_maxnorm(idx_hbm, table_hbm, out_hbm, idx_v, rows_v, sem):
    wid = lax.axis_index("s") * NUM_CORES + lax.axis_index("c")
    base = wid * BPW
    pltpu.sync_copy(idx_hbm.at[pl.ds(base, BPW)], idx_v)

    def gather_chunk(c, carry):
        r0 = c * CHUNK
        ivec = idx_v[pl.ds(r0, CHUNK)]
        cps = []
        for j in range(CHUNK):
            i = ivec[j]
            cps.append(
                pltpu.async_copy(
                    table_hbm.at[pl.ds(i, 1), :],
                    rows_v.at[pl.ds(r0 + j, 1), :],
                    sem,
                )
            )
        for cp in cps:
            cp.wait()
        return carry

    lax.fori_loop(0, BPW // CHUNK, gather_chunk, 0)

    lanes = lax.iota(jnp.int32, LANES)
    perms = [lanes ^ sh for sh in (8, 4, 2, 1)]

    def row_fn(r, carry):
        vecs = [rows_v[r, pl.ds(j * LANES, LANES)] for j in range(VECS_PER_ROW)]
        acc = vecs[0] * vecs[0]
        for v in vecs[1:]:
            acc = acc + v * v
        for p in perms:
            acc = acc + _permute(acc, p)
        scale = jnp.minimum(1.0, _rsqrt(acc))
        for j in range(VECS_PER_ROW):
            rows_v[r, pl.ds(j * LANES, LANES)] = vecs[j] * scale
        return carry

    lax.fori_loop(0, BPW, row_fn, 0)
    pltpu.sync_copy(rows_v, out_hbm.at[pl.ds(base, BPW), :])


def kernel(idxs, table):
    return _gather_maxnorm(idxs.astype(jnp.int32), table)

# --- scband reference (transcript-rebuilt; emitter-appended) ---
"""Pipeline reference for scband-latent-codes-57887569215688 (READ-ONLY COPY).

The authoritative reference and input builder live on the scoring server;
editing this copy changes nothing except your own understanding.
"""

import jax, jax.numpy as jnp
import numpy as np
import math

NUM_SCENES = 1000000
LATENT_SIZE = 64
CODE_BOUND = 1.0
STD = 1.0
BATCH = 16384


def setup_inputs(seed: int = 0) -> dict:
    key = jax.random.key(seed)
    k1, k2 = jax.random.split(key)
    idxs = jax.random.randint(k1, (BATCH,), 0, NUM_SCENES, dtype=jnp.int64 if jax.config.jax_enable_x64 else jnp.int32)
    # Embedding table initialized like torch.nn.init.normal_(w, 0.0, std/sqrt(latent_size))
    table = jax.random.normal(k2, (NUM_SCENES, LATENT_SIZE), dtype=jnp.float32) * (STD / math.sqrt(LATENT_SIZE))
    return {"idxs": idxs, "table": table}


def reference(idxs, table):
    # torch.nn.Embedding(..., max_norm=code_bound): gathered rows whose L2 norm
    # exceeds code_bound are rescaled to have norm == code_bound.
    gathered = jnp.take(table, idxs, axis=0)  # [B, latent_size]
    norms = jnp.linalg.norm(gathered, axis=-1, keepdims=True)
    scale = jnp.minimum(1.0, CODE_BOUND / jnp.maximum(norms, 1e-7))
    return gathered * scale

if __name__ == "__main__":
    import jax
    _d = setup_inputs()
    print(jax.jit(kernel)(*tuple(_d.values())))

</pallas_src>

<mosaic_0001>
#map = affine_map<(d0, d1) -> (0)>
#map1 = affine_map<(d0, d1) -> (0, 0)>
module attributes {stable_mosaic.version = 14 : i64} {
  func.func @_gather_maxnorm(%arg0: i32, %arg1: i32, %arg2: memref<16384xi32, #tpu.memory_space<hbm>>, %arg3: memref<1000000x64xf32, #tpu.memory_space<hbm>>, %arg4: memref<16384x64xf32, #tpu.memory_space<hbm>>, %arg5: memref<512xi32, #tpu.memory_space<vmem>>, %arg6: memref<512x64xf32, #tpu.memory_space<vmem>>, %arg7: memref<!tpu.dma_semaphore, #tpu.memory_space<semaphore_mem>>) attributes {dimension_semantics = [#tpu.dimension_semantics<core_parallel>, #tpu.dimension_semantics<subcore_parallel>], iteration_bounds = array<i64: 2, 16>, scalar_prefetch = 0 : i64, scratch_operands = 3 : i64, tpu.core_type = #tpu.core_type<sc_vector_subcore>, window_params = [{transform_indices = #map}, {transform_indices = #map1}, {transform_indices = #map1}]} {
    %mul3A = arith.constant 2 : i32
    %mul3A_0 = arith.muli %arg1, %mul3A : i32
    %add3A = arith.addi %mul3A_0, %arg0 : i32
    %mul3A_1 = arith.constant 512 : i32
    %mul3A_2 = arith.muli %add3A, %mul3A_1 : i32
    "tpu.region"() ({
      %run_scoped3A = tpu.sem_alloc : memref<!tpu.dma_semaphore, #tpu.memory_space<semaphore_mem>>
      %dma_start3A = tpu.memref_slice %arg2[%mul3A_2] : memref<16384xi32, #tpu.memory_space<hbm>> -> memref<512xi32, #tpu.memory_space<hbm>>
      %dma_start3A_25 = tpu.memref_slice %arg2[%mul3A_2] : memref<16384xi32, #tpu.memory_space<hbm>> -> memref<512xi32, #tpu.memory_space<hbm>>
      tpu.enqueue_dma source(%dma_start3A_25 : memref<512xi32, #tpu.memory_space<hbm>>) target(%arg5 : memref<512xi32, #tpu.memory_space<vmem>>) target_semaphore(%run_scoped3A : memref<!tpu.dma_semaphore, #tpu.memory_space<semaphore_mem>>)
      %dma_wait3A = tpu.memref_slice %arg2[%mul3A_2] : memref<16384xi32, #tpu.memory_space<hbm>> -> memref<512xi32, #tpu.memory_space<hbm>>
      %dma_wait3A_26 = tpu.memref_slice %arg2[%mul3A_2] : memref<16384xi32, #tpu.memory_space<hbm>> -> memref<512xi32, #tpu.memory_space<hbm>>
      tpu.wait_dma2 semaphore(%run_scoped3A : memref<!tpu.dma_semaphore, #tpu.memory_space<semaphore_mem>>) src(%dma_wait3A_26 : memref<512xi32, #tpu.memory_space<hbm>>) dst(%arg5 : memref<512xi32, #tpu.memory_space<vmem>>)
      tpu.yield
    }) : () -> ()
    %scan3A = arith.constant 0 : i32
    %scan3A_3 = arith.constant 0 : i32
    %scan3A_4 = arith.constant 32 : i32
    %scan3A_5 = arith.addi %scan3A_3, %scan3A_4 : i32
    %scan3A_6 = arith.constant 1 : i32
    scf.for %scan3A_25 = %scan3A_3 to %scan3A_5 step %scan3A_6  : i32 {
      %mul3A_26 = arith.constant 16 : i32
      %mul3A_27 = arith.muli %scan3A_25, %mul3A_26 : i32
      %get3A = arith.index_cast %mul3A_27 : i32 to index
      %get3A_28 = tpu.vector_load %arg5[%get3A] {strides = array<i32>} : memref<512xi32, #tpu.memory_space<vmem>>, vector<16xi32>,
      %get3A_29 = vector.shape_cast %get3A_28 : vector<16xi32> to vector<16xi32>
      %slice3A = vector.extract_strided_slice %get3A_29 {offsets = [0], sizes = [1], strides = [1]} : vector<16xi32> to vector<1xi32>
      %squeeze3A = vector.extract %slice3A[0] : i32 from vector<1xi32>
      %add3A_30 = arith.constant 0 : i32
      %add3A_31 = arith.addi %mul3A_27, %add3A_30 : i32
      %dma_start3A = arith.constant 0 : i32
      %dma_start3A_32 = tpu.memref_slice %arg6[%add3A_31, %dma_start3A] : memref<512x64xf32, #tpu.memory_space<vmem>> -> memref<1x64xf32, #tpu.memory_space<vmem>>
      %dma_start3A_33 = arith.constant 0 : i32
      %dma_start3A_34 = tpu.memref_slice %arg3[%squeeze3A, %dma_start3A_33] : memref<1000000x64xf32, #tpu.memory_space<hbm>> -> memref<1x64xf32, #tpu.memory_space<hbm>>
      %dma_start3A_35 = arith.constant 0 : i32
      %dma_start3A_36 = tpu.memref_slice %arg6[%add3A_31, %dma_start3A_35] : memref<512x64xf32, #tpu.memory_space<vmem>> -> memref<1x64xf32, #tpu.memory_space<vmem>>
      %dma_start3A_37 = arith.constant 0 : i32
      %dma_start3A_38 = tpu.memref_slice %arg3[%squeeze3A, %dma_start3A_37] : memref<1000000x64xf32, #tpu.memory_space<hbm>> -> memref<1x64xf32, #tpu.memory_space<hbm>>
      tpu.enqueue_dma source(%dma_start3A_38 : memref<1x64xf32, #tpu.memory_space<hbm>>) target(%dma_start3A_36 : memref<1x64xf32, #tpu.memory_space<vmem>>) target_semaphore(%arg7 : memref<!tpu.dma_semaphore, #tpu.memory_space<semaphore_mem>>)
      %slice3A_39 = vector.extract_strided_slice %get3A_29 {offsets = [1], sizes = [1], strides = [1]} : vector<16xi32> to vector<1xi32>
      %squeeze3A_40 = vector.extract %slice3A_39[0] : i32 from vector<1xi32>
      %add3A_41 = arith.constant 1 : i32
      %add3A_42 = arith.addi %mul3A_27, %add3A_41 : i32
      %dma_start3A_43 = arith.constant 0 : i32
      %dma_start3A_44 = tpu.memref_slice %arg6[%add3A_42, %dma_start3A_43] : memref<512x64xf32, #tpu.memory_space<vmem>> -> memref<1x64xf32, #tpu.memory_space<vmem>>
      %dma_start3A_45 = arith.constant 0 : i32
      %dma_start3A_46 = tpu.memref_slice %arg3[%squeeze3A_40, %dma_start3A_45] : memref<1000000x64xf32, #tpu.memory_space<hbm>> -> memref<1x64xf32, #tpu.memory_space<hbm>>
      %dma_start3A_47 = arith.constant 0 : i32
      %dma_start3A_48 = tpu.memref_slice %arg6[%add3A_42, %dma_start3A_47] : memref<512x64xf32, #tpu.memory_space<vmem>> -> memref<1x64xf32, #tpu.memory_space<vmem>>
      %dma_start3A_49 = arith.constant 0 : i32
      %dma_start3A_50 = tpu.memref_slice %arg3[%squeeze3A_40, %dma_start3A_49] : memref<1000000x64xf32, #tpu.memory_space<hbm>> -> memref<1x64xf32, #tpu.memory_space<hbm>>
      tpu.enqueue_dma source(%dma_start3A_50 : memref<1x64xf32, #tpu.memory_space<hbm>>) target(%dma_start3A_48 : memref<1x64xf32, #tpu.memory_space<vmem>>) target_semaphore(%arg7 : memref<!tpu.dma_semaphore, #tpu.memory_space<semaphore_mem>>)
      %slice3A_51 = vector.extract_strided_slice %get3A_29 {offsets = [2], sizes = [1], strides = [1]} : vector<16xi32> to vector<1xi32>
      %squeeze3A_52 = vector.extract %slice3A_51[0] : i32 from vector<1xi32>
      %add3A_53 = arith.constant 2 : i32
      %add3A_54 = arith.addi %mul3A_27, %add3A_53 : i32
      %dma_start3A_55 = arith.constant 0 : i32
      %dma_start3A_56 = tpu.memref_slice %arg6[%add3A_54, %dma_start3A_55] : memref<512x64xf32, #tpu.memory_space<vmem>> -> memref<1x64xf32, #tpu.memory_space<vmem>>
      %dma_start3A_57 = arith.constant 0 : i32
      %dma_start3A_58 = tpu.memref_slice %arg3[%squeeze3A_52, %dma_start3A_57] : memref<1000000x64xf32, #tpu.memory_space<hbm>> -> memref<1x64xf32, #tpu.memory_space<hbm>>
      %dma_start3A_59 = arith.constant 0 : i32
      %dma_start3A_60 = tpu.memref_slice %arg6[%add3A_54, %dma_start3A_59] : memref<512x64xf32, #tpu.memory_space<vmem>> -> memref<1x64xf32, #tpu.memory_space<vmem>>
      %dma_start3A_61 = arith.constant 0 : i32
      %dma_start3A_62 = tpu.memref_slice %arg3[%squeeze3A_52, %dma_start3A_61] : memref<1000000x64xf32, #tpu.memory_space<hbm>> -> memref<1x64xf32, #tpu.memory_space<hbm>>
      tpu.enqueue_dma source(%dma_start3A_62 : memref<1x64xf32, #tpu.memory_space<hbm>>) target(%dma_start3A_60 : memref<1x64xf32, #tpu.memory_space<vmem>>) target_semaphore(%arg7 : memref<!tpu.dma_semaphore, #tpu.memory_space<semaphore_mem>>)
      %slice3A_63 = vector.extract_strided_slice %get3A_29 {offsets = [3], sizes = [1], strides = [1]} : vector<16xi32> to vector<1xi32>
      %squeeze3A_64 = vector.extract %slice3A_63[0] : i32 from vector<1xi32>
      %add3A_65 = arith.constant 3 : i32
      %add3A_66 = arith.addi %mul3A_27, %add3A_65 : i32
      %dma_start3A_67 = arith.constant 0 : i32
      %dma_start3A_68 = tpu.memref_slice %arg6[%add3A_66, %dma_start3A_67] : memref<512x64xf32, #tpu.memory_space<vmem>> -> memref<1x64xf32, #tpu.memory_space<vmem>>
      %dma_start3A_69 = arith.constant 0 : i32
      %dma_start3A_70 = tpu.memref_slice %arg3[%squeeze3A_64, %dma_start3A_69] : memref<1000000x64xf32, #tpu.memory_space<hbm>> -> memref<1x64xf32, #tpu.memory_space<hbm>>
      %dma_start3A_71 = arith.constant 0 : i32
      %dma_start3A_72 = tpu.memref_slice %arg6[%add3A_66, %dma_start3A_71] : memref<512x64xf32, #tpu.memory_space<vmem>> -> memref<1x64xf32, #tpu.memory_space<vmem>>
      %dma_start3A_73 = arith.constant 0 : i32
      %dma_start3A_74 = tpu.memref_slice %arg3[%squeeze3A_64, %dma_start3A_73] : memref<1000000x64xf32, #tpu.memory_space<hbm>> -> memref<1x64xf32, #tpu.memory_space<hbm>>
      tpu.enqueue_dma source(%dma_start3A_74 : memref<1x64xf32, #tpu.memory_space<hbm>>) target(%dma_start3A_72 : memref<1x64xf32, #tpu.memory_space<vmem>>) target_semaphore(%arg7 : memref<!tpu.dma_semaphore, #tpu.memory_space<semaphore_mem>>)
      %slice3A_75 = vector.extract_strided_slice %get3A_29 {offsets = [4], sizes = [1], strides = [1]} : vector<16xi32> to vector<1xi32>
      %squeeze3A_76 = vector.extract %slice3A_75[0] : i32 from vector<1xi32>
      %add3A_77 = arith.constant 4 : i32
      %add3A_78 = arith.addi %mul3A_27, %add3A_77 : i32
      %dma_start3A_79 = arith.constant 0 : i32
      %dma_start3A_80 = tpu.memref_slice %arg6[%add3A_78, %dma_start3A_79] : memref<512x64xf32, #tpu.memory_space<vmem>> -> memref<1x64xf32, #tpu.memory_space<vmem>>
      %dma_start3A_81 = arith.constant 0 : i32
      %dma_start3A_82 = tpu.memref_slice %arg3[%squeeze3A_76, %dma_start3A_81] : memref<1000000x64xf32, #tpu.memory_space<hbm>> -> memref<1x64xf32, #tpu.memory_space<hbm>>
      %dma_start3A_83 = arith.constant 0 : i32
      %dma_start3A_84 = tpu.memref_slice %arg6[%add3A_78, %dma_start3A_83] : memref<512x64xf32, #tpu.memory_space<vmem>> -> memref<1x64xf32, #tpu.memory_space<vmem>>
      %dma_start3A_85 = arith.constant 0 : i32
      %dma_start3A_86 = tpu.memref_slice %arg3[%squeeze3A_76, %dma_start3A_85] : memref<1000000x64xf32, #tpu.memory_space<hbm>> -> memref<1x64xf32, #tpu.memory_space<hbm>>
      tpu.enqueue_dma source(%dma_start3A_86 : memref<1x64xf32, #tpu.memory_space<hbm>>) target(%dma_start3A_84 : memref<1x64xf32, #tpu.memory_space<vmem>>) target_semaphore(%arg7 : memref<!tpu.dma_semaphore, #tpu.memory_space<semaphore_mem>>)
      %slice3A_87 = vector.extract_strided_slice %get3A_29 {offsets = [5], sizes = [1], strides = [1]} : vector<16xi32> to vector<1xi32>
      %squeeze3A_88 = vector.extract %slice3A_87[0] : i32 from vector<1xi32>
      %add3A_89 = arith.constant 5 : i32
      %add3A_90 = arith.addi %mul3A_27, %add3A_89 : i32
      %dma_start3A_91 = arith.constant 0 : i32
      %dma_start3A_92 = tpu.memref_slice %arg6[%add3A_90, %dma_start3A_91] : memref<512x64xf32, #tpu.memory_space<vmem>> -> memref<1x64xf32, #tpu.memory_space<vmem>>
      %dma_start3A_93 = arith.constant 0 : i32
      %dma_start3A_94 = tpu.memref_slice %arg3[%squeeze3A_88, %dma_start3A_93] : memref<1000000x64xf32, #tpu.memory_space<hbm>> -> memref<1x64xf32, #tpu.memory_space<hbm>>
      %dma_start3A_95 = arith.constant 0 : i32
      %dma_start3A_96 = tpu.memref_slice %arg6[%add3A_90, %dma_start3A_95] : memref<512x64xf32, #tpu.memory_space<vmem>> -> memref<1x64xf32, #tpu.memory_space<vmem>>
      %dma_start3A_97 = arith.constant 0 : i32
      %dma_start3A_98 = tpu.memref_slice %arg3[%squeeze3A_88, %dma_start3A_97] : memref<1000000x64xf32, #tpu.memory_space<hbm>> -> memref<1x64xf32, #tpu.memory_space<hbm>>
      tpu.enqueue_dma source(%dma_start3A_98 : memref<1x64xf32, #tpu.memory_space<hbm>>) target(%dma_start3A_96 : memref<1x64xf32, #tpu.memory_space<vmem>>) target_semaphore(%arg7 : memref<!tpu.dma_semaphore, #tpu.memory_space<semaphore_mem>>)
      %slice3A_99 = vector.extract_strided_slice %get3A_29 {offsets = [6], sizes = [1], strides = [1]} : vector<16xi32> to vector<1xi32>
      %squeeze3A_100 = vector.extract %slice3A_99[0] : i32 from vector<1xi32>
      %add3A_101 = arith.constant 6 : i32
      %add3A_102 = arith.addi %mul3A_27, %add3A_101 : i32
      %dma_start3A_103 = arith.constant 0 : i32
      %dma_start3A_104 = tpu.memref_slice %arg6[%add3A_102, %dma_start3A_103] : memref<512x64xf32, #tpu.memory_space<vmem>> -> memref<1x64xf32, #tpu.memory_space<vmem>>
      %dma_start3A_105 = arith.constant 0 : i32
      %dma_start3A_106 = tpu.memref_slice %arg3[%squeeze3A_100, %dma_start3A_105] : memref<1000000x64xf32, #tpu.memory_space<hbm>> -> memref<1x64xf32, #tpu.memory_space<hbm>>
      %dma_start3A_107 = arith.constant 0 : i32
      %dma_start3A_108 = tpu.memref_slice %arg6[%add3A_102, %dma_start3A_107] : memref<512x64xf32, #tpu.memory_space<vmem>> -> memref<1x64xf32, #tpu.memory_space<vmem>>
      %dma_start3A_109 = arith.constant 0 : i32
      %dma_start3A_110 = tpu.memref_slice %arg3[%squeeze3A_100, %dma_start3A_109] : memref<1000000x64xf32, #tpu.memory_space<hbm>> -> memref<1x64xf32, #tpu.memory_space<hbm>>
      tpu.enqueue_dma source(%dma_start3A_110 : memref<1x64xf32, #tpu.memory_space<hbm>>) target(%dma_start3A_108 : memref<1x64xf32, #tpu.memory_space<vmem>>) target_semaphore(%arg7 : memref<!tpu.dma_semaphore, #tpu.memory_space<semaphore_mem>>)
      %slice3A_111 = vector.extract_strided_slice %get3A_29 {offsets = [7], sizes = [1], strides = [1]} : vector<16xi32> to vector<1xi32>
      %squeeze3A_112 = vector.extract %slice3A_111[0] : i32 from vector<1xi32>
      %add3A_113 = arith.constant 7 : i32
      %add3A_114 = arith.addi %mul3A_27, %add3A_113 : i32
      %dma_start3A_115 = arith.constant 0 : i32
      %dma_start3A_116 = tpu.memref_slice %arg6[%add3A_114, %dma_start3A_115] : memref<512x64xf32, #tpu.memory_space<vmem>> -> memref<1x64xf32, #tpu.memory_space<vmem>>
      %dma_start3A_117 = arith.constant 0 : i32
      %dma_start3A_118 = tpu.memref_slice %arg3[%squeeze3A_112, %dma_start3A_117] : memref<1000000x64xf32, #tpu.memory_space<hbm>> -> memref<1x64xf32, #tpu.memory_space<hbm>>
      %dma_start3A_119 = arith.constant 0 : i32
      %dma_start3A_120 = tpu.memref_slice %arg6[%add3A_114, %dma_start3A_119] : memref<512x64xf32, #tpu.memory_space<vmem>> -> memref<1x64xf32, #tpu.memory_space<vmem>>
      %dma_start3A_121 = arith.constant 0 : i32
      %dma_start3A_122 = tpu.memref_slice %arg3[%squeeze3A_112, %dma_start3A_121] : memref<1000000x64xf32, #tpu.memory_space<hbm>> -> memref<1x64xf32, #tpu.memory_space<hbm>>
      tpu.enqueue_dma source(%dma_start3A_122 : memref<1x64xf32, #tpu.memory_space<hbm>>) target(%dma_start3A_120 : memref<1x64xf32, #tpu.memory_space<vmem>>) target_semaphore(%arg7 : memref<!tpu.dma_semaphore, #tpu.memory_space<semaphore_mem>>)
      %slice3A_123 = vector.extract_strided_slice %get3A_29 {offsets = [8], sizes = [1], strides = [1]} : vector<16xi32> to vector<1xi32>
      %squeeze3A_124 = vector.extract %slice3A_123[0] : i32 from vector<1xi32>
      %add3A_125 = arith.constant 8 : i32
      %add3A_126 = arith.addi %mul3A_27, %add3A_125 : i32
      %dma_start3A_127 = arith.constant 0 : i32
      %dma_start3A_128 = tpu.memref_slice %arg6[%add3A_126, %dma_start3A_127] : memref<512x64xf32, #tpu.memory_space<vmem>> -> memref<1x64xf32, #tpu.memory_space<vmem>>
      %dma_start3A_129 = arith.constant 0 : i32
      %dma_start3A_130 = tpu.memref_slice %arg3[%squeeze3A_124, %dma_start3A_129] : memref<1000000x64xf32, #tpu.memory_space<hbm>> -> memref<1x64xf32, #tpu.memory_space<hbm>>
      %dma_start3A_131 = arith.constant 0 : i32
      %dma_start3A_132 = tpu.memref_slice %arg6[%add3A_126, %dma_start3A_131] : memref<512x64xf32, #tpu.memory_space<vmem>> -> memref<1x64xf32, #tpu.memory_space<vmem>>
      %dma_start3A_133 = arith.constant 0 : i32
      %dma_start3A_134 = tpu.memref_slice %arg3[%squeeze3A_124, %dma_start3A_133] : memref<1000000x64xf32, #tpu.memory_space<hbm>> -> memref<1x64xf32, #tpu.memory_space<hbm>>
      tpu.enqueue_dma source(%dma_start3A_134 : memref<1x64xf32, #tpu.memory_space<hbm>>) target(%dma_start3A_132 : memref<1x64xf32, #tpu.memory_space<vmem>>) target_semaphore(%arg7 : memref<!tpu.dma_semaphore, #tpu.memory_space<semaphore_mem>>)
      %slice3A_135 = vector.extract_strided_slice %get3A_29 {offsets = [9], sizes = [1], strides = [1]} : vector<16xi32> to vector<1xi32>
      %squeeze3A_136 = vector.extract %slice3A_135[0] : i32 from vector<1xi32>
      %add3A_137 = arith.constant 9 : i32
      %add3A_138 = arith.addi %mul3A_27, %add3A_137 : i32
      %dma_start3A_139 = arith.constant 0 : i32
      %dma_start3A_140 = tpu.memref_slice %arg6[%add3A_138, %dma_start3A_139] : memref<512x64xf32, #tpu.memory_space<vmem>> -> memref<1x64xf32, #tpu.memory_space<vmem>>
      %dma_start3A_141 = arith.constant 0 : i32
      %dma_start3A_142 = tpu.memref_slice %arg3[%squeeze3A_136, %dma_start3A_141] : memref<1000000x64xf32, #tpu.memory_space<hbm>> -> memref<1x64xf32, #tpu.memory_space<hbm>>
      %dma_start3A_143 = arith.constant 0 : i32
      %dma_start3A_144 = tpu.memref_slice %arg6[%add3A_138, %dma_start3A_143] : memref<512x64xf32, #tpu.memory_space<vmem>> -> memref<1x64xf32, #tpu.memory_space<vmem>>
      %dma_start3A_145 = arith.constant 0 : i32
      %dma_start3A_146 = tpu.memref_slice %arg3[%squeeze3A_136, %dma_start3A_145] : memref<1000000x64xf32, #tpu.memory_space<hbm>> -> memref<1x64xf32, #tpu.memory_space<hbm>>
      tpu.enqueue_dma source(%dma_start3A_146 : memref<1x64xf32, #tpu.memory_space<hbm>>) target(%dma_start3A_144 : memref<1x64xf32, #tpu.memory_space<vmem>>) target_semaphore(%arg7 : memref<!tpu.dma_semaphore, #tpu.memory_space<semaphore_mem>>)
      %slice3A_147 = vector.extract_strided_slice %get3A_29 {offsets = [10], sizes = [1], strides = [1]} : vector<16xi32> to vector<1xi32>
      %squeeze3A_148 = vector.extract %slice3A_147[0] : i32 from vector<1xi32>
      %add3A_149 = arith.constant 10 : i32
      %add3A_150 = arith.addi %mul3A_27, %add3A_149 : i32
      %dma_start3A_151 = arith.constant 0 : i32
      %dma_start3A_152 = tpu.memref_slice %arg6[%add3A_150, %dma_start3A_151] : memref<512x64xf32, #tpu.memory_space<vmem>> -> memref<1x64xf32, #tpu.memory_space<vmem>>
      %dma_start3A_153 = arith.constant 0 : i32
      %dma_start3A_154 = tpu.memref_slice %arg3[%squeeze3A_148, %dma_start3A_153] : memref<1000000x64xf32, #tpu.memory_space<hbm>> -> memref<1x64xf32, #tpu.memory_space<hbm>>
      %dma_start3A_155 = arith.constant 0 : i32
      %dma_start3A_156 = tpu.memref_slice %arg6[%add3A_150, %dma_start3A_155] : memref<512x64xf32, #tpu.memory_space<vmem>> -> memref<1x64xf32, #tpu.memory_space<vmem>>
      %dma_start3A_157 = arith.constant 0 : i32
      %dma_start3A_158 = tpu.memref_slice %arg3[%squeeze3A_148, %dma_start3A_157] : memref<1000000x64xf32, #tpu.memory_space<hbm>> -> memref<1x64xf32, #tpu.memory_space<hbm>>
      tpu.enqueue_dma source(%dma_start3A_158 : memref<1x64xf32, #tpu.memory_space<hbm>>) target(%dma_start3A_156 : memref<1x64xf32, #tpu.memory_space<vmem>>) target_semaphore(%arg7 : memref<!tpu.dma_semaphore, #tpu.memory_space<semaphore_mem>>)
      %slice3A_159 = vector.extract_strided_slice %get3A_29 {offsets = [11], sizes = [1], strides = [1]} : vector<16xi32> to vector<1xi32>
      %squeeze3A_160 = vector.extract %slice3A_159[0] : i32 from vector<1xi32>
      %add3A_161 = arith.constant 11 : i32
      %add3A_162 = arith.addi %mul3A_27, %add3A_161 : i32
      %dma_start3A_163 = arith.constant 0 : i32
      %dma_start3A_164 = tpu.memref_slice %arg6[%add3A_162, %dma_start3A_163] : memref<512x64xf32, #tpu.memory_space<vmem>> -> memref<1x64xf32, #tpu.memory_space<vmem>>
      %dma_start3A_165 = arith.constant 0 : i32
      %dma_start3A_166 = tpu.memref_slice %arg3[%squeeze3A_160, %dma_start3A_165] : memref<1000000x64xf32, #tpu.memory_space<hbm>> -> memref<1x64xf32, #tpu.memory_space<hbm>>
      %dma_start3A_167 = arith.constant 0 : i32
      %dma_start3A_168 = tpu.memref_slice %arg6[%add3A_162, %dma_start3A_167] : memref<512x64xf32, #tpu.memory_space<vmem>> -> memref<1x64xf32, #tpu.memory_space<vmem>>
      %dma_start3A_169 = arith.constant 0 : i32
      %dma_start3A_170 = tpu.memref_slice %arg3[%squeeze3A_160, %dma_start3A_169] : memref<1000000x64xf32, #tpu.memory_space<hbm>> -> memref<1x64xf32, #tpu.memory_space<hbm>>
      tpu.enqueue_dma source(%dma_start3A_170 : memref<1x64xf32, #tpu.memory_space<hbm>>) target(%dma_start3A_168 : memref<1x64xf32, #tpu.memory_space<vmem>>) target_semaphore(%arg7 : memref<!tpu.dma_semaphore, #tpu.memory_space<semaphore_mem>>)
      %slice3A_171 = vector.extract_strided_slice %get3A_29 {offsets = [12], sizes = [1], strides = [1]} : vector<16xi32> to vector<1xi32>
      %squeeze3A_172 = vector.extract %slice3A_171[0] : i32 from vector<1xi32>
      %add3A_173 = arith.constant 12 : i32
      %add3A_174 = arith.addi %mul3A_27, %add3A_173 : i32
      %dma_start3A_175 = arith.constant 0 : i32
      %dma_start3A_176 = tpu.memref_slice %arg6[%add3A_174, %dma_start3A_175] : memref<512x64xf32, #tpu.memory_space<vmem>> -> memref<1x64xf32, #tpu.memory_space<vmem>>
      %dma_start3A_177 = arith.constant 0 : i32
      %dma_start3A_178 = tpu.memref_slice %arg3[%squeeze3A_172, %dma_start3A_177] : memref<1000000x64xf32, #tpu.memory_space<hbm>> -> memref<1x64xf32, #tpu.memory_space<hbm>>
      %dma_start3A_179 = arith.constant 0 : i32
      %dma_start3A_180 = tpu.memref_slice %arg6[%add3A_174, %dma_start3A_179] : memref<512x64xf32, #tpu.memory_space<vmem>> -> memref<1x64xf32, #tpu.memory_space<vmem>>
      %dma_start3A_181 = arith.constant 0 : i32
      %dma_start3A_182 = tpu.memref_slice %arg3[%squeeze3A_172, %dma_start3A_181] : memref<1000000x64xf32, #tpu.memory_space<hbm>> -> memref<1x64xf32, #tpu.memory_space<hbm>>
      tpu.enqueue_dma source(%dma_start3A_182 : memref<1x64xf32, #tpu.memory_space<hbm>>) target(%dma_start3A_180 : memref<1x64xf32, #tpu.memory_space<vmem>>) target_semaphore(%arg7 : memref<!tpu.dma_semaphore, #tpu.memory_space<semaphore_mem>>)
      %slice3A_183 = vector.extract_strided_slice %get3A_29 {offsets = [13], sizes = [1], strides = [1]} : vector<16xi32> to vector<1xi32>
      %squeeze3A_184 = vector.extract %slice3A_183[0] : i32 from vector<1xi32>
      %add3A_185 = arith.constant 13 : i32
      %add3A_186 = arith.addi %mul3A_27, %add3A_185 : i32
      %dma_start3A_187 = arith.constant 0 : i32
      %dma_start3A_188 = tpu.memref_slice %arg6[%add3A_186, %dma_start3A_187] : memref<512x64xf32, #tpu.memory_space<vmem>> -> memref<1x64xf32, #tpu.memory_space<vmem>>
      %dma_start3A_189 = arith.constant 0 : i32
      %dma_start3A_190 = tpu.memref_slice %arg3[%squeeze3A_184, %dma_start3A_189] : memref<1000000x64xf32, #tpu.memory_space<hbm>> -> memref<1x64xf32, #tpu.memory_space<hbm>>
      %dma_start3A_191 = arith.constant 0 : i32
      %dma_start3A_192 = tpu.memref_slice %arg6[%add3A_186, %dma_start3A_191] : memref<512x64xf32, #tpu.memory_space<vmem>> -> memref<1x64xf32, #tpu.memory_space<vmem>>
      %dma_start3A_193 = arith.constant 0 : i32
      %dma_start3A_194 = tpu.memref_slice %arg3[%squeeze3A_184, %dma_start3A_193] : memref<1000000x64xf32, #tpu.memory_space<hbm>> -> memref<1x64xf32, #tpu.memory_space<hbm>>
      tpu.enqueue_dma source(%dma_start3A_194 : memref<1x64xf32, #tpu.memory_space<hbm>>) target(%dma_start3A_192 : memref<1x64xf32, #tpu.memory_space<vmem>>) target_semaphore(%arg7 : memref<!tpu.dma_semaphore, #tpu.memory_space<semaphore_mem>>)
      %slice3A_195 = vector.extract_strided_slice %get3A_29 {offsets = [14], sizes = [1], strides = [1]} : vector<16xi32> to vector<1xi32>
      %squeeze3A_196 = vector.extract %slice3A_195[0] : i32 from vector<1xi32>
      %add3A_197 = arith.constant 14 : i32
      %add3A_198 = arith.addi %mul3A_27, %add3A_197 : i32
      %dma_start3A_199 = arith.constant 0 : i32
      %dma_start3A_200 = tpu.memref_slice %arg6[%add3A_198, %dma_start3A_199] : memref<512x64xf32, #tpu.memory_space<vmem>> -> memref<1x64xf32, #tpu.memory_space<vmem>>
      %dma_start3A_201 = arith.constant 0 : i32
      %dma_start3A_202 = tpu.memref_slice %arg3[%squeeze3A_196, %dma_start3A_201] : memref<1000000x64xf32, #tpu.memory_space<hbm>> -> memref<1x64xf32, #tpu.memory_space<hbm>>
      %dma_start3A_203 = arith.constant 0 : i32
      %dma_start3A_204 = tpu.memref_slice %arg6[%add3A_198, %dma_start3A_203] : memref<512x64xf32, #tpu.memory_space<vmem>> -> memref<1x64xf32, #tpu.memory_space<vmem>>
      %dma_start3A_205 = arith.constant 0 : i32
      %dma_start3A_206 = tpu.memref_slice %arg3[%squeeze3A_196, %dma_start3A_205] : memref<1000000x64xf32, #tpu.memory_space<hbm>> -> memref<1x64xf32, #tpu.memory_space<hbm>>
      tpu.enqueue_dma source(%dma_start3A_206 : memref<1x64xf32, #tpu.memory_space<hbm>>) target(%dma_start3A_204 : memref<1x64xf32, #tpu.memory_space<vmem>>) target_semaphore(%arg7 : memref<!tpu.dma_semaphore, #tpu.memory_space<semaphore_mem>>)
      %slice3A_207 = vector.extract_strided_slice %get3A_29 {offsets = [15], sizes = [1], strides = [1]} : vector<16xi32> to vector<1xi32>
      %squeeze3A_208 = vector.extract %slice3A_207[0] : i32 from vector<1xi32>
      %add3A_209 = arith.constant 15 : i32
      %add3A_210 = arith.addi %mul3A_27, %add3A_209 : i32
      %dma_start3A_211 = arith.constant 0 : i32
      %dma_start3A_212 = tpu.memref_slice %arg6[%add3A_210, %dma_start3A_211] : memref<512x64xf32, #tpu.memory_space<vmem>> -> memref<1x64xf32, #tpu.memory_space<vmem>>
      %dma_start3A_213 = arith.constant 0 : i32
      %dma_start3A_214 = tpu.memref_slice %arg3[%squeeze3A_208, %dma_start3A_213] : memref<1000000x64xf32, #tpu.memory_space<hbm>> -> memref<1x64xf32, #tpu.memory_space<hbm>>
      %dma_start3A_215 = arith.constant 0 : i32
      %dma_start3A_216 = tpu.memref_slice %arg6[%add3A_210, %dma_start3A_215] : memref<512x64xf32, #tpu.memory_space<vmem>> -> memref<1x64xf32, #tpu.memory_space<vmem>>
      %dma_start3A_217 = arith.constant 0 : i32
      %dma_start3A_218 = tpu.memref_slice %arg3[%squeeze3A_208, %dma_start3A_217] : memref<1000000x64xf32, #tpu.memory_space<hbm>> -> memref<1x64xf32, #tpu.memory_space<hbm>>
      tpu.enqueue_dma source(%dma_start3A_218 : memref<1x64xf32, #tpu.memory_space<hbm>>) target(%dma_start3A_216 : memref<1x64xf32, #tpu.memory_space<vmem>>) target_semaphore(%arg7 : memref<!tpu.dma_semaphore, #tpu.memory_space<semaphore_mem>>)
      %dma_wait3A = arith.constant 0 : i32
      %dma_wait3A_219 = tpu.memref_slice %arg6[%add3A_31, %dma_wait3A] : memref<512x64xf32, #tpu.memory_space<vmem>> -> memref<1x64xf32, #tpu.memory_space<vmem>>
      %dma_wait3A_220 = arith.constant 0 : i32
      %dma_wait3A_221 = tpu.memref_slice %arg3[%squeeze3A, %dma_wait3A_220] : memref<1000000x64xf32, #tpu.memory_space<hbm>> -> memref<1x64xf32, #tpu.memory_space<hbm>>
      %dma_wait3A_222 = arith.constant 0 : i32
      %dma_wait3A_223 = tpu.memref_slice %arg6[%add3A_31, %dma_wait3A_222] : memref<512x64xf32, #tpu.memory_space<vmem>> -> memref<1x64xf32, #tpu.memory_space<vmem>>
      %dma_wait3A_224 = arith.constant 0 : i32
      %dma_wait3A_225 = tpu.memref_slice %arg3[%squeeze3A, %dma_wait3A_224] : memref<1000000x64xf32, #tpu.memory_space<hbm>> -> memref<1x64xf32, #tpu.memory_space<hbm>>
      tpu.wait_dma2 semaphore(%arg7 : memref<!tpu.dma_semaphore, #tpu.memory_space<semaphore_mem>>) src(%dma_wait3A_225 : memref<1x64xf32, #tpu.memory_space<hbm>>) dst(%dma_wait3A_223 : memref<1x64xf32, #tpu.memory_space<vmem>>)
      %dma_wait3A_226 = arith.constant 0 : i32
      %dma_wait3A_227 = tpu.memref_slice %arg6[%add3A_42, %dma_wait3A_226] : memref<512x64xf32, #tpu.memory_space<vmem>> -> memref<1x64xf32, #tpu.memory_space<vmem>>
      %dma_wait3A_228 = arith.constant 0 : i32
      %dma_wait3A_229 = tpu.memref_slice %arg3[%squeeze3A_40, %dma_wait3A_228] : memref<1000000x64xf32, #tpu.memory_space<hbm>> -> memref<1x64xf32, #tpu.memory_space<hbm>>
      %dma_wait3A_230 = arith.constant 0 : i32
      %dma_wait3A_231 = tpu.memref_slice %arg6[%add3A_42, %dma_wait3A_230] : memref<512x64xf32, #tpu.memory_space<vmem>> -> memref<1x64xf32, #tpu.memory_space<vmem>>
      %dma_wait3A_232 = arith.constant 0 : i32
      %dma_wait3A_233 = tpu.memref_slice %arg3[%squeeze3A_40, %dma_wait3A_232] : memref<1000000x64xf32, #tpu.memory_space<hbm>> -> memref<1x64xf32, #tpu.memory_space<hbm>>
      tpu.wait_dma2 semaphore(%arg7 : memref<!tpu.dma_semaphore, #tpu.memory_space<semaphore_mem>>) src(%dma_wait3A_233 : memref<1x64xf32, #tpu.memory_space<hbm>>) dst(%dma_wait3A_231 : memref<1x64xf32, #tpu.memory_space<vmem>>)
      %dma_wait3A_234 = arith.constant 0 : i32
      %dma_wait3A_235 = tpu.memref_slice %arg6[%add3A_54, %dma_wait3A_234] : memref<512x64xf32, #tpu.memory_space<vmem>> -> memref<1x64xf32, #tpu.memory_space<vmem>>
      %dma_wait3A_236 = arith.constant 0 : i32
      %dma_wait3A_237 = tpu.memref_slice %arg3[%squeeze3A_52, %dma_wait3A_236] : memref<1000000x64xf32, #tpu.memory_space<hbm>> -> memref<1x64xf32, #tpu.memory_space<hbm>>
      %dma_wait3A_238 = arith.constant 0 : i32
      %dma_wait3A_239 = tpu.memref_slice %arg6[%add3A_54, %dma_wait3A_238] : memref<512x64xf32, #tpu.memory_space<vmem>> -> memref<1x64xf32, #tpu.memory_space<vmem>>
      %dma_wait3A_240 = arith.constant 0 : i32
      %dma_wait3A_241 = tpu.memref_slice %arg3[%squeeze3A_52, %dma_wait3A_240] : memref<1000000x64xf32, #tpu.memory_space<hbm>> -> memref<1x64xf32, #tpu.memory_space<hbm>>
      tpu.wait_dma2 semaphore(%arg7 : memref<!tpu.dma_semaphore, #tpu.memory_space<semaphore_mem>>) src(%dma_wait3A_241 : memref<1x64xf32, #tpu.memory_space<hbm>>) dst(%dma_wait3A_239 : memref<1x64xf32, #tpu.memory_space<vmem>>)
      %dma_wait3A_242 = arith.constant 0 : i32
      %dma_wait3A_243 = tpu.memref_slice %arg6[%add3A_66, %dma_wait3A_242] : memref<512x64xf32, #tpu.memory_space<vmem>> -> memref<1x64xf32, #tpu.memory_space<vmem>>
      %dma_wait3A_244 = arith.constant 0 : i32
      %dma_wait3A_245 = tpu.memref_slice %arg3[%squeeze3A_64, %dma_wait3A_244] : memref<1000000x64xf32, #tpu.memory_space<hbm>> -> memref<1x64xf32, #tpu.memory_space<hbm>>
      %dma_wait3A_246 = arith.constant 0 : i32
      %dma_wait3A_247 = tpu.memref_slice %arg6[%add3A_66, %dma_wait3A_246] : memref<512x64xf32, #tpu.memory_space<vmem>> -> memref<1x64xf32, #tpu.memory_space<vmem>>
      %dma_wait3A_248 = arith.constant 0 : i32
      %dma_wait3A_249 = tpu.memref_slice %arg3[%squeeze3A_64, %dma_wait3A_248] : memref<1000000x64xf32, #tpu.memory_space<hbm>> -> memref<1x64xf32, #tpu.memory_space<hbm>>
      tpu.wait_dma2 semaphore(%arg7 : memref<!tpu.dma_semaphore, #tpu.memory_space<semaphore_mem>>) src(%dma_wait3A_249 : memref<1x64xf32, #tpu.memory_space<hbm>>) dst(%dma_wait3A_247 : memref<1x64xf32, #tpu.memory_space<vmem>>)
      %dma_wait3A_250 = arith.constant 0 : i32
      %dma_wait3A_251 = tpu.memref_slice %arg6[%add3A_78, %dma_wait3A_250] : memref<512x64xf32, #tpu.memory_space<vmem>> -> memref<1x64xf32, #tpu.memory_space<vmem>>
      %dma_wait3A_252 = arith.constant 0 : i32
      %dma_wait3A_253 = tpu.memref_slice %arg3[%squeeze3A_76, %dma_wait3A_252] : memref<1000000x64xf32, #tpu.memory_space<hbm>> -> memref<1x64xf32, #tpu.memory_space<hbm>>
      %dma_wait3A_254 = arith.constant 0 : i32
      %dma_wait3A_255 = tpu.memref_slice %arg6[%add3A_78, %dma_wait3A_254] : memref<512x64xf32, #tpu.memory_space<vmem>> -> memref<1x64xf32, #tpu.memory_space<vmem>>
      %dma_wait3A_256 = arith.constant 0 : i32
      %dma_wait3A_257 = tpu.memref_slice %arg3[%squeeze3A_76, %dma_wait3A_256] : memref<1000000x64xf32, #tpu.memory_space<hbm>> -> memref<1x64xf32, #tpu.memory_space<hbm>>
      tpu.wait_dma2 semaphore(%arg7 : memref<!tpu.dma_semaphore, #tpu.memory_space<semaphore_mem>>) src(%dma_wait3A_257 : memref<1x64xf32, #tpu.memory_space<hbm>>) dst(%dma_wait3A_255 : memref<1x64xf32, #tpu.memory_space<vmem>>)
      %dma_wait3A_258 = arith.constant 0 : i32
      %dma_wait3A_259 = tpu.memref_slice %arg6[%add3A_90, %dma_wait3A_258] : memref<512x64xf32, #tpu.memory_space<vmem>> -> memref<1x64xf32, #tpu.memory_space<vmem>>
      %dma_wait3A_260 = arith.constant 0 : i32
      %dma_wait3A_261 = tpu.memref_slice %arg3[%squeeze3A_88, %dma_wait3A_260] : memref<1000000x64xf32, #tpu.memory_space<hbm>> -> memref<1x64xf32, #tpu.memory_space<hbm>>
      %dma_wait3A_262 = arith.constant 0 : i32
      %dma_wait3A_263 = tpu.memref_slice %arg6[%add3A_90, %dma_wait3A_262] : memref<512x64xf32, #tpu.memory_space<vmem>> -> memref<1x64xf32, #tpu.memory_space<vmem>>
      %dma_wait3A_264 = arith.constant 0 : i32
      %dma_wait3A_265 = tpu.memref_slice %arg3[%squeeze3A_88, %dma_wait3A_264] : memref<1000000x64xf32, #tpu.memory_space<hbm>> -> memref<1x64xf32, #tpu.memory_space<hbm>>
      tpu.wait_dma2 semaphore(%arg7 : memref<!tpu.dma_semaphore, #tpu.memory_space<semaphore_mem>>) src(%dma_wait3A_265 : memref<1x64xf32, #tpu.memory_space<hbm>>) dst(%dma_wait3A_263 : memref<1x64xf32, #tpu.memory_space<vmem>>)
      %dma_wait3A_266 = arith.constant 0 : i32
      %dma_wait3A_267 = tpu.memref_slice %arg6[%add3A_102, %dma_wait3A_266] : memref<512x64xf32, #tpu.memory_space<vmem>> -> memref<1x64xf32, #tpu.memory_space<vmem>>
      %dma_wait3A_268 = arith.constant 0 : i32
      %dma_wait3A_269 = tpu.memref_slice %arg3[%squeeze3A_100, %dma_wait3A_268] : memref<1000000x64xf32, #tpu.memory_space<hbm>> -> memref<1x64xf32, #tpu.memory_space<hbm>>
      %dma_wait3A_270 = arith.constant 0 : i32
      %dma_wait3A_271 = tpu.memref_slice %arg6[%add3A_102, %dma_wait3A_270] : memref<512x64xf32, #tpu.memory_space<vmem>> -> memref<1x64xf32, #tpu.memory_space<vmem>>
      %dma_wait3A_272 = arith.constant 0 : i32
      %dma_wait3A_273 = tpu.memref_slice %arg3[%squeeze3A_100, %dma_wait3A_272] : memref<1000000x64xf32, #tpu.memory_space<hbm>> -> memref<1x64xf32, #tpu.memory_space<hbm>>
      tpu.wait_dma2 semaphore(%arg7 : memref<!tpu.dma_semaphore, #tpu.memory_space<semaphore_mem>>) src(%dma_wait3A_273 : memref<1x64xf32, #tpu.memory_space<hbm>>) dst(%dma_wait3A_271 : memref<1x64xf32, #tpu.memory_space<vmem>>)
      %dma_wait3A_274 = arith.constant 0 : i32
      %dma_wait3A_275 = tpu.memref_slice %arg6[%add3A_114, %dma_wait3A_274] : memref<512x64xf32, #tpu.memory_space<vmem>> -> memref<1x64xf32, #tpu.memory_space<vmem>>
      %dma_wait3A_276 = arith.constant 0 : i32
      %dma_wait3A_277 = tpu.memref_slice %arg3[%squeeze3A_112, %dma_wait3A_276] : memref<1000000x64xf32, #tpu.memory_space<hbm>> -> memref<1x64xf32, #tpu.memory_space<hbm>>
      %dma_wait3A_278 = arith.constant 0 : i32
      %dma_wait3A_279 = tpu.memref_slice %arg6[%add3A_114, %dma_wait3A_278] : memref<512x64xf32, #tpu.memory_space<vmem>> -> memref<1x64xf32, #tpu.memory_space<vmem>>
      %dma_wait3A_280 = arith.constant 0 : i32
      %dma_wait3A_281 = tpu.memref_slice %arg3[%squeeze3A_112, %dma_wait3A_280] : memref<1000000x64xf32, #tpu.memory_space<hbm>> -> memref<1x64xf32, #tpu.memory_space<hbm>>
      tpu.wait_dma2 semaphore(%arg7 : memref<!tpu.dma_semaphore, #tpu.memory_space<semaphore_mem>>) src(%dma_wait3A_281 : memref<1x64xf32, #tpu.memory_space<hbm>>) dst(%dma_wait3A_279 : memref<1x64xf32, #tpu.memory_space<vmem>>)
      %dma_wait3A_282 = arith.constant 0 : i32
      %dma_wait3A_283 = tpu.memref_slice %arg6[%add3A_126, %dma_wait3A_282] : memref<512x64xf32, #tpu.memory_space<vmem>> -> memref<1x64xf32, #tpu.memory_space<vmem>>
      %dma_wait3A_284 = arith.constant 0 : i32
      %dma_wait3A_285 = tpu.memref_slice %arg3[%squeeze3A_124, %dma_wait3A_284] : memref<1000000x64xf32, #tpu.memory_space<hbm>> -> memref<1x64xf32, #tpu.memory_space<hbm>>
      %dma_wait3A_286 = arith.constant 0 : i32
      %dma_wait3A_287 = tpu.memref_slice %arg6[%add3A_126, %dma_wait3A_286] : memref<512x64xf32, #tpu.memory_space<vmem>> -> memref<1x64xf32, #tpu.memory_space<vmem>>
      %dma_wait3A_288 = arith.constant 0 : i32
      %dma_wait3A_289 = tpu.memref_slice %arg3[%squeeze3A_124, %dma_wait3A_288] : memref<1000000x64xf32, #tpu.memory_space<hbm>> -> memref<1x64xf32, #tpu.memory_space<hbm>>
      tpu.wait_dma2 semaphore(%arg7 : memref<!tpu.dma_semaphore, #tpu.memory_space<semaphore_mem>>) src(%dma_wait3A_289 : memref<1x64xf32, #tpu.memory_space<hbm>>) dst(%dma_wait3A_287 : memref<1x64xf32, #tpu.memory_space<vmem>>)
      %dma_wait3A_290 = arith.constant 0 : i32
      %dma_wait3A_291 = tpu.memref_slice %arg6[%add3A_138, %dma_wait3A_290] : memref<512x64xf32, #tpu.memory_space<vmem>> -> memref<1x64xf32, #tpu.memory_space<vmem>>
      %dma_wait3A_292 = arith.constant 0 : i32
      %dma_wait3A_293 = tpu.memref_slice %arg3[%squeeze3A_136, %dma_wait3A_292] : memref<1000000x64xf32, #tpu.memory_space<hbm>> -> memref<1x64xf32, #tpu.memory_space<hbm>>
      %dma_wait3A_294 = arith.constant 0 : i32
      %dma_wait3A_295 = tpu.memref_slice %arg6[%add3A_138, %dma_wait3A_294] : memref<512x64xf32, #tpu.memory_space<vmem>> -> memref<1x64xf32, #tpu.memory_space<vmem>>
      %dma_wait3A_296 = arith.constant 0 : i32
      %dma_wait3A_297 = tpu.memref_slice %arg3[%squeeze3A_136, %dma_wait3A_296] : memref<1000000x64xf32, #tpu.memory_space<hbm>> -> memref<1x64xf32, #tpu.memory_space<hbm>>
      tpu.wait_dma2 semaphore(%arg7 : memref<!tpu.dma_semaphore, #tpu.memory_space<semaphore_mem>>) src(%dma_wait3A_297 : memref<1x64xf32, #tpu.memory_space<hbm>>) dst(%dma_wait3A_295 : memref<1x64xf32, #tpu.memory_space<vmem>>)
      %dma_wait3A_298 = arith.constant 0 : i32
      %dma_wait3A_299 = tpu.memref_slice %arg6[%add3A_150, %dma_wait3A_298] : memref<512x64xf32, #tpu.memory_space<vmem>> -> memref<1x64xf32, #tpu.memory_space<vmem>>
      %dma_wait3A_300 = arith.constant 0 : i32
      %dma_wait3A_301 = tpu.memref_slice %arg3[%squeeze3A_148, %dma_wait3A_300] : memref<1000000x64xf32, #tpu.memory_space<hbm>> -> memref<1x64xf32, #tpu.memory_space<hbm>>
      %dma_wait3A_302 = arith.constant 0 : i32
      %dma_wait3A_303 = tpu.memref_slice %arg6[%add3A_150, %dma_wait3A_302] : memref<512x64xf32, #tpu.memory_space<vmem>> -> memref<1x64xf32, #tpu.memory_space<vmem>>
      %dma_wait3A_304 = arith.constant 0 : i32
      %dma_wait3A_305 = tpu.memref_slice %arg3[%squeeze3A_148, %dma_wait3A_304] : memref<1000000x64xf32, #tpu.memory_space<hbm>> -> memref<1x64xf32, #tpu.memory_space<hbm>>
      tpu.wait_dma2 semaphore(%arg7 : memref<!tpu.dma_semaphore, #tpu.memory_space<semaphore_mem>>) src(%dma_wait3A_305 : memref<1x64xf32, #tpu.memory_space<hbm>>) dst(%dma_wait3A_303 : memref<1x64xf32, #tpu.memory_space<vmem>>)
      %dma_wait3A_306 = arith.constant 0 : i32
      %dma_wait3A_307 = tpu.memref_slice %arg6[%add3A_162, %dma_wait3A_306] : memref<512x64xf32, #tpu.memory_space<vmem>> -> memref<1x64xf32, #tpu.memory_space<vmem>>
      %dma_wait3A_308 = arith.constant 0 : i32
      %dma_wait3A_309 = tpu.memref_slice %arg3[%squeeze3A_160, %dma_wait3A_308] : memref<1000000x64xf32, #tpu.memory_space<hbm>> -> memref<1x64xf32, #tpu.memory_space<hbm>>
      %dma_wait3A_310 = arith.constant 0 : i32
      %dma_wait3A_311 = tpu.memref_slice %arg6[%add3A_162, %dma_wait3A_310] : memref<512x64xf32, #tpu.memory_space<vmem>> -> memref<1x64xf32, #tpu.memory_space<vmem>>
      %dma_wait3A_312 = arith.constant 0 : i32
      %dma_wait3A_313 = tpu.memref_slice %arg3[%squeeze3A_160, %dma_wait3A_312] : memref<1000000x64xf32, #tpu.memory_space<hbm>> -> memref<1x64xf32, #tpu.memory_space<hbm>>
      tpu.wait_dma2 semaphore(%arg7 : memref<!tpu.dma_semaphore, #tpu.memory_space<semaphore_mem>>) src(%dma_wait3A_313 : memref<1x64xf32, #tpu.memory_space<hbm>>) dst(%dma_wait3A_311 : memref<1x64xf32, #tpu.memory_space<vmem>>)
      %dma_wait3A_314 = arith.constant 0 : i32
      %dma_wait3A_315 = tpu.memref_slice %arg6[%add3A_174, %dma_wait3A_314] : memref<512x64xf32, #tpu.memory_space<vmem>> -> memref<1x64xf32, #tpu.memory_space<vmem>>
      %dma_wait3A_316 = arith.constant 0 : i32
      %dma_wait3A_317 = tpu.memref_slice %arg3[%squeeze3A_172, %dma_wait3A_316] : memref<1000000x64xf32, #tpu.memory_space<hbm>> -> memref<1x64xf32, #tpu.memory_space<hbm>>
      %dma_wait3A_318 = arith.constant 0 : i32
      %dma_wait3A_319 = tpu.memref_slice %arg6[%add3A_174, %dma_wait3A_318] : memref<512x64xf32, #tpu.memory_space<vmem>> -> memref<1x64xf32, #tpu.memory_space<vmem>>
      %dma_wait3A_320 = arith.constant 0 : i32
      %dma_wait3A_321 = tpu.memref_slice %arg3[%squeeze3A_172, %dma_wait3A_320] : memref<1000000x64xf32, #tpu.memory_space<hbm>> -> memref<1x64xf32, #tpu.memory_space<hbm>>
      tpu.wait_dma2 semaphore(%arg7 : memref<!tpu.dma_semaphore, #tpu.memory_space<semaphore_mem>>) src(%dma_wait3A_321 : memref<1x64xf32, #tpu.memory_space<hbm>>) dst(%dma_wait3A_319 : memref<1x64xf32, #tpu.memory_space<vmem>>)
      %dma_wait3A_322 = arith.constant 0 : i32
      %dma_wait3A_323 = tpu.memref_slice %arg6[%add3A_186, %dma_wait3A_322] : memref<512x64xf32, #tpu.memory_space<vmem>> -> memref<1x64xf32, #tpu.memory_space<vmem>>
      %dma_wait3A_324 = arith.constant 0 : i32
      %dma_wait3A_325 = tpu.memref_slice %arg3[%squeeze3A_184, %dma_wait3A_324] : memref<1000000x64xf32, #tpu.memory_space<hbm>> -> memref<1x64xf32, #tpu.memory_space<hbm>>
      %dma_wait3A_326 = arith.constant 0 : i32
      %dma_wait3A_327 = tpu.memref_slice %arg6[%add3A_186, %dma_wait3A_326] : memref<512x64xf32, #tpu.memory_space<vmem>> -> memref<1x64xf32, #tpu.memory_space<vmem>>
      %dma_wait3A_328 = arith.constant 0 : i32
      %dma_wait3A_329 = tpu.memref_slice %arg3[%squeeze3A_184, %dma_wait3A_328] : memref<1000000x64xf32, #tpu.memory_space<hbm>> -> memref<1x64xf32, #tpu.memory_space<hbm>>
      tpu.wait_dma2 semaphore(%arg7 : memref<!tpu.dma_semaphore, #tpu.memory_space<semaphore_mem>>) src(%dma_wait3A_329 : memref<1x64xf32, #tpu.memory_space<hbm>>) dst(%dma_wait3A_327 : memref<1x64xf32, #tpu.memory_space<vmem>>)
      %dma_wait3A_330 = arith.constant 0 : i32
      %dma_wait3A_331 = tpu.memref_slice %arg6[%add3A_198, %dma_wait3A_330] : memref<512x64xf32, #tpu.memory_space<vmem>> -> memref<1x64xf32, #tpu.memory_space<vmem>>
      %dma_wait3A_332 = arith.constant 0 : i32
      %dma_wait3A_333 = tpu.memref_slice %arg3[%squeeze3A_196, %dma_wait3A_332] : memref<1000000x64xf32, #tpu.memory_space<hbm>> -> memref<1x64xf32, #tpu.memory_space<hbm>>
      %dma_wait3A_334 = arith.constant 0 : i32
      %dma_wait3A_335 = tpu.memref_slice %arg6[%add3A_198, %dma_wait3A_334] : memref<512x64xf32, #tpu.memory_space<vmem>> -> memref<1x64xf32, #tpu.memory_space<vmem>>
      %dma_wait3A_336 = arith.constant 0 : i32
      %dma_wait3A_337 = tpu.memref_slice %arg3[%squeeze3A_196, %dma_wait3A_336] : memref<1000000x64xf32, #tpu.memory_space<hbm>> -> memref<1x64xf32, #tpu.memory_space<hbm>>
      tpu.wait_dma2 semaphore(%arg7 : memref<!tpu.dma_semaphore, #tpu.memory_space<semaphore_mem>>) src(%dma_wait3A_337 : memref<1x64xf32, #tpu.memory_space<hbm>>) dst(%dma_wait3A_335 : memref<1x64xf32, #tpu.memory_space<vmem>>)
      %dma_wait3A_338 = arith.constant 0 : i32
      %dma_wait3A_339 = tpu.memref_slice %arg6[%add3A_210, %dma_wait3A_338] : memref<512x64xf32, #tpu.memory_space<vmem>> -> memref<1x64xf32, #tpu.memory_space<vmem>>
      %dma_wait3A_340 = arith.constant 0 : i32
      %dma_wait3A_341 = tpu.memref_slice %arg3[%squeeze3A_208, %dma_wait3A_340] : memref<1000000x64xf32, #tpu.memory_space<hbm>> -> memref<1x64xf32, #tpu.memory_space<hbm>>
      %dma_wait3A_342 = arith.constant 0 : i32
      %dma_wait3A_343 = tpu.memref_slice %arg6[%add3A_210, %dma_wait3A_342] : memref<512x64xf32, #tpu.memory_space<vmem>> -> memref<1x64xf32, #tpu.memory_space<vmem>>
      %dma_wait3A_344 = arith.constant 0 : i32
      %dma_wait3A_345 = tpu.memref_slice %arg3[%squeeze3A_208, %dma_wait3A_344] : memref<1000000x64xf32, #tpu.memory_space<hbm>> -> memref<1x64xf32, #tpu.memory_space<hbm>>
      tpu.wait_dma2 semaphore(%arg7 : memref<!tpu.dma_semaphore, #tpu.memory_space<semaphore_mem>>) src(%dma_wait3A_345 : memref<1x64xf32, #tpu.memory_space<hbm>>) dst(%dma_wait3A_343 : memref<1x64xf32, #tpu.memory_space<vmem>>)
    }
    %scan3A_7 = arith.constant 32 : i32
    %iota3A = tpu.iota {dimensions = array<i32: 0>} : vector<16xi32>
    %xor3A = arith.constant 8 : i32
    %xor3A_8 = vector.broadcast %xor3A : i32 to vector<16xi32>
    %xor3A_9 = arith.xori %iota3A, %xor3A_8 : vector<16xi32>
    %xor3A_10 = arith.constant 4 : i32
    %xor3A_11 = vector.broadcast %xor3A_10 : i32 to vector<16xi32>
    %xor3A_12 = arith.xori %iota3A, %xor3A_11 : vector<16xi32>
    %xor3A_13 = arith.constant 2 : i32
    %xor3A_14 = vector.broadcast %xor3A_13 : i32 to vector<16xi32>
    %xor3A_15 = arith.xori %iota3A, %xor3A_14 : vector<16xi32>
    %xor3A_16 = arith.constant 1 : i32
    %xor3A_17 = vector.broadcast %xor3A_16 : i32 to vector<16xi32>
    %xor3A_18 = arith.xori %iota3A, %xor3A_17 : vector<16xi32>
    %scan3A_19 = arith.constant 0 : i32
    %scan3A_20 = arith.constant 0 : i32
    %scan3A_21 = arith.constant 512 : i32
    %scan3A_22 = arith.addi %scan3A_20, %scan3A_21 : i32
    %scan3A_23 = arith.constant 1 : i32
    scf.for %scan3A_25 = %scan3A_20 to %scan3A_22 step %scan3A_23  : i32 {
      %get3A = arith.index_cast %scan3A_25 : i32 to index
      %get3A_26 = arith.constant 0 : index
      %get3A_27 = tpu.vector_load %arg6[%get3A, %get3A_26] {strides = array<i32>} : memref<512x64xf32, #tpu.memory_space<vmem>>, vector<1x16xf32>,
      %get3A_28 = vector.shape_cast %get3A_27 : vector<1x16xf32> to vector<16xf32>
      %get3A_29 = arith.index_cast %scan3A_25 : i32 to index
      %get3A_30 = arith.constant 16 : index
      %get3A_31 = tpu.vector_load %arg6[%get3A_29, %get3A_30] {strides = array<i32>} : memref<512x64xf32, #tpu.memory_space<vmem>>, vector<1x16xf32>,
      %get3A_32 = vector.shape_cast %get3A_31 : vector<1x16xf32> to vector<16xf32>
      %get3A_33 = arith.index_cast %scan3A_25 : i32 to index
      %get3A_34 = arith.constant 32 : index
      %get3A_35 = tpu.vector_load %arg6[%get3A_33, %get3A_34] {strides = array<i32>} : memref<512x64xf32, #tpu.memory_space<vmem>>, vector<1x16xf32>,
      %get3A_36 = vector.shape_cast %get3A_35 : vector<1x16xf32> to vector<16xf32>
      %get3A_37 = arith.index_cast %scan3A_25 : i32 to index
      %get3A_38 = arith.constant 48 : index
      %get3A_39 = tpu.vector_load %arg6[%get3A_37, %get3A_38] {strides = array<i32>} : memref<512x64xf32, #tpu.memory_space<vmem>>, vector<1x16xf32>,
      %get3A_40 = vector.shape_cast %get3A_39 : vector<1x16xf32> to vector<16xf32>
      %mul3A_41 = arith.mulf %get3A_28, %get3A_28 : vector<16xf32>
      %mul3A_42 = arith.mulf %get3A_32, %get3A_32 : vector<16xf32>
      %add3A_43 = arith.addf %mul3A_41, %mul3A_42 : vector<16xf32>
      %mul3A_44 = arith.mulf %get3A_36, %get3A_36 : vector<16xf32>
      %add3A_45 = arith.addf %add3A_43, %mul3A_44 : vector<16xf32>
      %mul3A_46 = arith.mulf %get3A_40, %get3A_40 : vector<16xf32>
      %add3A_47 = arith.addf %add3A_45, %mul3A_46 : vector<16xf32>
      %broadcast_in_dim3A = vector.shape_cast %xor3A_9 : vector<16xi32> to vector<16x1xi32>
      %gather3A = vector.shape_cast %broadcast_in_dim3A : vector<16x1xi32> to vector<16xi32>
      %gather3A_48 = tpu.dynamic_gather %add3A_47[%gather3A] in [0] : vector<16xf32>, vector<16xi32> -> vector<16xf32>
      %add3A_49 = arith.addf %add3A_47, %gather3A_48 : vector<16xf32>
      %broadcast_in_dim3A_50 = vector.shape_cast %xor3A_12 : vector<16xi32> to vector<16x1xi32>
      %gather3A_51 = vector.shape_cast %broadcast_in_dim3A_50 : vector<16x1xi32> to vector<16xi32>
      %gather3A_52 = tpu.dynamic_gather %add3A_49[%gather3A_51] in [0] : vector<16xf32>, vector<16xi32> -> vector<16xf32>
      %add3A_53 = arith.addf %add3A_49, %gather3A_52 : vector<16xf32>
      %broadcast_in_dim3A_54 = vector.shape_cast %xor3A_15 : vector<16xi32> to vector<16x1xi32>
      %gather3A_55 = vector.shape_cast %broadcast_in_dim3A_54 : vector<16x1xi32> to vector<16xi32>
      %gather3A_56 = tpu.dynamic_gather %add3A_53[%gather3A_55] in [0] : vector<16xf32>, vector<16xi32> -> vector<16xf32>
      %add3A_57 = arith.addf %add3A_53, %gather3A_56 : vector<16xf32>
      %broadcast_in_dim3A_58 = vector.shape_cast %xor3A_18 : vector<16xi32> to vector<16x1xi32>
      %gather3A_59 = vector.shape_cast %broadcast_in_dim3A_58 : vector<16x1xi32> to vector<16xi32>
      %gather3A_60 = tpu.dynamic_gather %add3A_57[%gather3A_59] in [0] : vector<16xf32>, vector<16xi32> -> vector<16xf32>
      %add3A_61 = arith.addf %add3A_57, %gather3A_60 : vector<16xf32>
      %bitcast_convert_type3A = tpu.bitcast %add3A_61 : vector<16xf32> -> vector<16xi32>
      %shift_right_arithmetic3A = arith.constant 1 : i32
      %shift_right_arithmetic3A_62 = vector.broadcast %shift_right_arithmetic3A : i32 to vector<16xi32>
      %shift_right_arithmetic3A_63 = arith.shrsi %bitcast_convert_type3A, %shift_right_arithmetic3A_62 : vector<16xi32>
      %sub3A = arith.constant 1597463007 : i32
      %sub3A_64 = vector.broadcast %sub3A : i32 to vector<16xi32>
      %sub3A_65 = arith.subi %sub3A_64, %shift_right_arithmetic3A_63 : vector<16xi32>
      %bitcast_convert_type3A_66 = tpu.bitcast %sub3A_65 : vector<16xi32> -> vector<16xf32>
      %mul3A_67 = arith.constant 5.000000e-01 : f32
      %mul3A_68 = vector.broadcast %mul3A_67 : f32 to vector<16xf32>
      %mul3A_69 = arith.mulf %mul3A_68, %add3A_61 : vector<16xf32>
      %mul3A_70 = arith.mulf %mul3A_69, %bitcast_convert_type3A_66 : vector<16xf32>
      %mul3A_71 = arith.mulf %mul3A_70, %bitcast_convert_type3A_66 : vector<16xf32>
      %sub3A_72 = arith.constant 1.500000e+00 : f32
      %sub3A_73 = vector.broadcast %sub3A_72 : f32 to vector<16xf32>
      %sub3A_74 = arith.subf %sub3A_73, %mul3A_71 : vector<16xf32>
      %mul3A_75 = arith.mulf %bitcast_convert_type3A_66, %sub3A_74 : vector<16xf32>
      %mul3A_76 = arith.constant 5.000000e-01 : f32
      %mul3A_77 = vector.broadcast %mul3A_76 : f32 to vector<16xf32>
      %mul3A_78 = arith.mulf %mul3A_77, %add3A_61 : vector<16xf32>
      %mul3A_79 = arith.mulf %mul3A_78, %mul3A_75 : vector<16xf32>
      %mul3A_80 = arith.mulf %mul3A_79, %mul3A_75 : vector<16xf32>
      %sub3A_81 = arith.constant 1.500000e+00 : f32
      %sub3A_82 = vector.broadcast %sub3A_81 : f32 to vector<16xf32>
      %sub3A_83 = arith.subf %sub3A_82, %mul3A_80 : vector<16xf32>
      %mul3A_84 = arith.mulf %mul3A_75, %sub3A_83 : vector<16xf32>
      %mul3A_85 = arith.constant 5.000000e-01 : f32
      %mul3A_86 = vector.broadcast %mul3A_85 : f32 to vector<16xf32>
      %mul3A_87 = arith.mulf %mul3A_86, %add3A_61 : vector<16xf32>
      %mul3A_88 = arith.mulf %mul3A_87, %mul3A_84 : vector<16xf32>
      %mul3A_89 = arith.mulf %mul3A_88, %mul3A_84 : vector<16xf32>
      %sub3A_90 = arith.constant 1.500000e+00 : f32
      %sub3A_91 = vector.broadcast %sub3A_90 : f32 to vector<16xf32>
      %sub3A_92 = arith.subf %sub3A_91, %mul3A_89 : vector<16xf32>
      %mul3A_93 = arith.mulf %mul3A_84, %sub3A_92 : vector<16xf32>
      %min3A = arith.constant 1.000000e+00 : f32
      %min3A_94 = vector.broadcast %min3A : f32 to vector<16xf32>
      %min3A_95 = arith.minimumf %min3A_94, %mul3A_93 : vector<16xf32>
      %mul3A_96 = arith.mulf %get3A_28, %min3A_95 : vector<16xf32>
      %swap3A = arith.index_cast %scan3A_25 : i32 to index
      %swap3A_97 = arith.constant 0 : index
      %swap3A_98 = tpu.vector_load %arg6[%swap3A, %swap3A_97] {strides = array<i32>} : memref<512x64xf32, #tpu.memory_space<vmem>>, vector<1x16xf32>,
      %swap3A_99 = vector.shape_cast %swap3A_98 : vector<1x16xf32> to vector<16xf32>
      %swap3A_100 = vector.shape_cast %mul3A_96 : vector<16xf32> to vector<1x16xf32>
      tpu.vector_store %arg6[%swap3A, %swap3A_97], %swap3A_100 {strides = array<i32>} : memref<512x64xf32, #tpu.memory_space<vmem>>, vector<1x16xf32>,
      %mul3A_101 = arith.mulf %get3A_32, %min3A_95 : vector<16xf32>
      %swap3A_102 = arith.index_cast %scan3A_25 : i32 to index
      %swap3A_103 = arith.constant 16 : index
      %swap3A_104 = tpu.vector_load %arg6[%swap3A_102, %swap3A_103] {strides = array<i32>} : memref<512x64xf32, #tpu.memory_space<vmem>>, vector<1x16xf32>,
      %swap3A_105 = vector.shape_cast %swap3A_104 : vector<1x16xf32> to vector<16xf32>
      %swap3A_106 = vector.shape_cast %mul3A_101 : vector<16xf32> to vector<1x16xf32>
      tpu.vector_store %arg6[%swap3A_102, %swap3A_103], %swap3A_106 {strides = array<i32>} : memref<512x64xf32, #tpu.memory_space<vmem>>, vector<1x16xf32>,
      %mul3A_107 = arith.mulf %get3A_36, %min3A_95 : vector<16xf32>
      %swap3A_108 = arith.index_cast %scan3A_25 : i32 to index
      %swap3A_109 = arith.constant 32 : index
      %swap3A_110 = tpu.vector_load %arg6[%swap3A_108, %swap3A_109] {strides = array<i32>} : memref<512x64xf32, #tpu.memory_space<vmem>>, vector<1x16xf32>,
      %swap3A_111 = vector.shape_cast %swap3A_110 : vector<1x16xf32> to vector<16xf32>
      %swap3A_112 = vector.shape_cast %mul3A_107 : vector<16xf32> to vector<1x16xf32>
      tpu.vector_store %arg6[%swap3A_108, %swap3A_109], %swap3A_112 {strides = array<i32>} : memref<512x64xf32, #tpu.memory_space<vmem>>, vector<1x16xf32>,
      %mul3A_113 = arith.mulf %get3A_40, %min3A_95 : vector<16xf32>
      %swap3A_114 = arith.index_cast %scan3A_25 : i32 to index
      %swap3A_115 = arith.constant 48 : index
      %swap3A_116 = tpu.vector_load %arg6[%swap3A_114, %swap3A_115] {strides = array<i32>} : memref<512x64xf32, #tpu.memory_space<vmem>>, vector<1x16xf32>,
      %swap3A_117 = vector.shape_cast %swap3A_116 : vector<1x16xf32> to vector<16xf32>
      %swap3A_118 = vector.shape_cast %mul3A_113 : vector<16xf32> to vector<1x16xf32>
      tpu.vector_store %arg6[%swap3A_114, %swap3A_115], %swap3A_118 {strides = array<i32>} : memref<512x64xf32, #tpu.memory_space<vmem>>, vector<1x16xf32>,
    }
    %scan3A_24 = arith.constant 512 : i32
    "tpu.region"() ({
      %run_scoped3A = tpu.sem_alloc : memref<!tpu.dma_semaphore, #tpu.memory_space<semaphore_mem>>
      %dma_start3A = arith.constant 0 : i32
      %dma_start3A_25 = tpu.memref_slice %arg4[%mul3A_2, %dma_start3A] : memref<16384x64xf32, #tpu.memory_space<hbm>> -> memref<512x64xf32, #tpu.memory_space<hbm>>
      %dma_start3A_26 = arith.constant 0 : i32
      %dma_start3A_27 = tpu.memref_slice %arg4[%mul3A_2, %dma_start3A_26] : memref<16384x64xf32, #tpu.memory_space<hbm>> -> memref<512x64xf32, #tpu.memory_space<hbm>>
      tpu.enqueue_dma source(%arg6 : memref<512x64xf32, #tpu.memory_space<vmem>>) target(%dma_start3A_27 : memref<512x64xf32, #tpu.memory_space<hbm>>) target_semaphore(%run_scoped3A : memref<!tpu.dma_semaphore, #tpu.memory_space<semaphore_mem>>)
      %dma_wait3A = arith.constant 0 : i32
      %dma_wait3A_28 = tpu.memref_slice %arg4[%mul3A_2, %dma_wait3A] : memref<16384x64xf32, #tpu.memory_space<hbm>> -> memref<512x64xf32, #tpu.memory_space<hbm>>
      %dma_wait3A_29 = arith.constant 0 : i32
      %dma_wait3A_30 = tpu.memref_slice %arg4[%mul3A_2, %dma_wait3A_29] : memref<16384x64xf32, #tpu.memory_space<hbm>> -> memref<512x64xf32, #tpu.memory_space<hbm>>
      tpu.wait_dma2 semaphore(%run_scoped3A : memref<!tpu.dma_semaphore, #tpu.memory_space<semaphore_mem>>) src(%arg6 : memref<512x64xf32, #tpu.memory_space<vmem>>) dst(%dma_wait3A_30 : memref<512x64xf32, #tpu.memory_space<hbm>>)
      tpu.yield
    }) : () -> ()
    return
  }
}

</mosaic_0001>

<sc_bundles>
// kernel: kernel.3.cloned.1.call-start
scs
__scs_entry_jumppad:
0x0: {  	(pc) =	sbr.rel $0x88, $3  }
0x1: {  	(tag) =	ssettag $0x0;
	lr =	simm.s32 $0x1  }
0x2: {  	[smem:$0x3F9F] =	sst lr;
	_ =	strace $0xD0000000  }
0x3: {  	_ = 	snop  }
0x4: {  	_ = 	snop  }
0x5: {  	_ = 	snop  }
0x6: {  	_ = 	snop  }
0x7: {  	_ = 	snop  }
__scs_overlays_trampoline_lowered:
0x8: {  	[smem:$0x3FAE] =	sst s0  }
0x9: {  	[smem:$0x3FAF] =	sst s1  }
0xa: {  	[smem:$0x3FB0] =	sst s2  }
0xb: {  	[smem:$0x3FB1] =	sst s3  }
0xc: {  	[smem:$0x3FB2] =	sst s4  }
0xd: {  	[smem:$0x3FB3] =	sst s5  }
0xe: {  	[smem:$0x3FB4] =	sst s6  }
0xf: {  	[smem:$0x3FB5] =	sst s7  }
0x10: {  	[smem:$0x3FB6] =	sst s8  }
0x11: {  	[smem:$0x3FB7] =	sst s9;
	s0 =	simm.s32 @!p0 $0x0  }
0x12: {  	s1 =	sld [smem:$0x3F9D];
	s0 =	simm.s32 @p0 $0x1  }
0x13: {  	[smem:$0x3FB8] =	sst s0;
	s0 =	simm.s32 @!p1 $0x0  }
0x14: {  	s2 =	sld [smem:$0x3F9C];
	s0 =	simm.s32 @p1 $0x1  }
0x15: {  	[smem:$0x3FB9] =	sst s0;
	s0 =	simm.s32 @!p2 $0x0  }
0x16: {  	s3 =	sld [smem:$0x3FDB];
	s0 =	simm.s32 @p2 $0x1  }
0x17: {  	s4 =	simm.s32 $0x1BF5;
	[smem:$0x3FBB] =	sst s0  }
0x18: {  	s0 =	sld [smem:$0x3F9E];
	_ =	swait.ge [sflag:s4], $0x0  }
0x19: {  	s7 =	sld [smem:$0x3F9F]  }
0x1a: {  	s8 =	sadd.s32 $0xFFFFE003, lr  }
0x1b: {  	s9 =	sadd.s32 $0xFFFFFEF7, lr;
	s5 =	simm.s32 $0xFFFFFFFF;
	p2 =	slt.u32 s8, $0xFFFFF086  }
0x1c: {  	p1 =	slt.u32 s9, $0xF7A;
	s5 =	simm.s32 @!p2 $0x0  }
0x1d: {  	s5 =	simm.s32 @p1 $0x1;
	p0 =	seq.s32 s7, s2  }
0x1e: {  	s7 =	smul.u32 @!p0 $0xF7A, s2;
	p2 =	seq.s32 @!p0 s5, $0x0  }
0x1f: {  	s9 =	smul.u32 $0xF7A, s1;
	s8 =	simm.s32 @!p0 $0x1BF5;
	p2 =	por !p2, p0  }
0x20: {  	[sflag:s8] =	ssyncset.s32 @!p0 $0xFFFFF086;
	s6 =	sadd.s32 @!p0 s3, s7;
	s7 =	simm.s32 @!p0 $0x108  }
0x21: {  	s3 =	sadd.s32 s3, s9;
	s6 =	sadd.s32 @!p0 $0x88, s6;
	s7 =	simm.s32 @p2 $0x1082  }
0x22: {  	[simem:s7], [sflag:s8] =	dma.local @!p0 [hbm:s6], $0xF7A  }
0x23: {  	s9 =	sor.u32 $0xD0000000, s2;
	s6 =	simm.s32 $0x108;
	_ =	swait.ge @!p0 [sflag:s8], $0x0  }
0x24: {  	s3 =	sadd.s32 $0x88, s3;
	s6 =	simm.s32 @!p1 $0x1082;
	[sflag:s4] =	ssyncset.s32 $0xFFFFF086  }
0x25: {  	[simem:s6], [sflag:s4] =	dma.local [hbm:s3], $0xF7A  }
0x26: {  	[smem:$0x3F9F] =	sst s1;
	(tag) =	ssettag s2;
	_ =	strace s9  }
0x27: {  	s1 =	sld [smem:$0x3FAF]  }
0x28: {  	s2 =	sld [smem:$0x3FB0]  }
0x29: {  	s4 =	sld [smem:$0x3FB2]  }
0x2a: {  	p0 =	seq.s32 s5, $0x0;
	s5 =	sld [smem:$0x3FB3]  }
0x2b: {  	s6 =	sld [smem:$0x3FB4]  }
0x2c: {  	s7 =	sld [smem:$0x3FB5]  }
0x2d: {  	s3 =	simm.s32 $0x108;
	s8 =	sld [smem:$0x3FB6]  }
0x2e: {  	s3 =	simm.s32 @!p0 $0x1082;
	s9 =	sld [smem:$0x3FB7]  }
0x2f: {  	lr =	sadd.s32 s0, s3;
	s0 =	sld [smem:$0x3FAE]  }
0x30: {  	s3 =	sld [smem:$0x3FB1]  }
0x31: {  	[smem:$0x3FBA] =	sst s10  }
0x32: {  	s10 =	sld [smem:$0x3FB8];
	_ =	sdelay $0x3  }
0x33: {  	p0 =	seq.s32 s10, $0x1;
	s10 =	sld [smem:$0x3FBA];
	_ =	sdelay $0x3  }
0x34: {  	[smem:$0x3FBA] =	sst s10  }
0x35: {  	s10 =	sld [smem:$0x3FB9];
	_ =	sdelay $0x3  }
0x36: {  	p1 =	seq.s32 s10, $0x1;
	s10 =	sld [smem:$0x3FBA];
	_ =	sdelay $0x3  }
0x37: {  	[smem:$0x3FBA] =	sst s10  }
0x38: {  	s10 =	sld [smem:$0x3FBB]  }
0x39: {  	_ = 	snop;
	(pc) =	sbr.ind lr, $3  }
0x3a: {  	_ = 	snop  }
0x3b: {  	_ = 	snop  }
0x3c: {  	p2 =	seq.s32 s10, $0x1;
	s10 =	sld [smem:$0x3FBA]  }
0x3d: {  	_ =	shalt  }
0x3e: {  	_ =	shalt  }
0x3f: {  	_ =	shalt  }
0x40: {  	_ =	shalt  }
0x41: {  	_ =	shalt  }
0x42: {  	_ =	shalt  }
0x43: {  	_ =	shalt  }
0x44: {  	_ =	shalt  }
0x45: {  	_ =	shalt  }
0x46: {  	_ =	shalt  }
0x47: {  	_ =	shalt  }
0x48: {  	_ =	shalt  }
0x49: {  	_ =	shalt  }
0x4a: {  	_ =	shalt  }
0x4b: {  	_ =	shalt  }
0x4c: {  	_ =	shalt  }
0x4d: {  	_ =	shalt  }
0x4e: {  	_ =	shalt  }
0x4f: {  	_ =	shalt  }
0x50: {  	_ =	shalt  }
0x51: {  	_ =	shalt  }
0x52: {  	_ =	shalt  }
0x53: {  	_ =	shalt  }
0x54: {  	_ =	shalt  }
0x55: {  	_ =	shalt  }
0x56: {  	_ =	shalt  }
0x57: {  	_ =	shalt  }
0x58: {  	_ =	shalt  }
0x59: {  	_ =	shalt  }
0x5a: {  	_ =	shalt  }
0x5b: {  	_ =	shalt  }
0x5c: {  	_ =	shalt  }
0x5d: {  	_ =	shalt  }
0x5e: {  	_ =	shalt  }
0x5f: {  	_ =	shalt  }
0x60: {  	_ =	shalt  }
0x61: {  	_ =	shalt  }
0x62: {  	_ =	shalt  }
0x63: {  	_ =	shalt  }
0x64: {  	_ =	shalt  }
0x65: {  	_ =	shalt  }
0x66: {  	_ =	shalt  }
0x67: {  	_ =	shalt  }
0x68: {  	_ =	shalt  }
0x69: {  	_ =	shalt  }
0x6a: {  	_ =	shalt  }
0x6b: {  	_ =	shalt  }
0x6c: {  	_ =	shalt  }
0x6d: {  	_ =	shalt  }
0x6e: {  	_ =	shalt  }
0x6f: {  	_ =	shalt  }
0x70: {  	_ =	shalt  }
0x71: {  	_ =	shalt  }
0x72: {  	_ =	shalt  }
0x73: {  	_ =	shalt  }
0x74: {  	_ =	shalt  }
0x75: {  	_ =	shalt  }
0x76: {  	_ =	shalt  }
0x77: {  	_ =	shalt  }
0x78: {  	_ =	shalt  }
0x79: {  	_ =	shalt  }
0x7a: {  	_ =	shalt  }
0x7b: {  	_ =	shalt  }
0x7c: {  	_ =	shalt  }
0x7d: {  	_ =	shalt  }
0x7e: {  	_ =	shalt  }
0x7f: {  	_ =	shalt  }
0x80: {  	_ =	shalt  }
0x81: {  	_ =	shalt  }
0x82: {  	_ =	shalt  }
0x83: {  	_ =	shalt  }
0x84: {  	_ =	shalt  }
0x85: {  	_ =	shalt  }
0x86: {  	_ =	shalt  }
0x87: {  	_ =	shalt  }
.Lfunc_end0:
.L_simem_size_0:
called_computation_lowered:
.L_overlay_start_0:
0x88: {  	s2 =	sld [smem:$0x3FD9]  }
0x89: {  	s3 =	sld [smem:$0x3FFE];
	_ =	sdelay $0x1  }
0x8a: {  	s1 =	srdreg.scid  }
0x8b: {  	s0 =	sand.u32 $0x1, s1  }
0x8c: {  	s17 =	sshll.u32 s0, $0xA;
	s2 =	sadd.s32 s3, s2  }
0x8d: {  	s2 =	sadd.s32 s2, s17  }
0x8e: {  	[smem:$0x3FC6] =	sst s2  }
0x8f: {  	_ = 	snop  }
0x90: {  	s2 =	sld [smem:$0x3FC9];
	(tm) =	ssettm $0x1  }
0x91: {  	s18 =	sld [smem:$0x3FFB];
	_ =	sdelay $0x3  }
0x92: {  	_ =	strace s18  }
0x93: {  	s3 =	sld [smem:$0x3FFC];
	_ =	sdelay $0x3  }
0x94: {  	_ =	strace s3  }
0x95: {  	s3 =	sld [smem:$0x3FFD];
	_ =	sdelay $0x3  }
0x96: {  	_ =	strace s3  }
0x97: {  	_ =	strace $0x8FFFFFFF  }
0x98: {  	s19 =	sld [smem:$0x3FDB];
	_ =	sdelay $0x1  }
0x99: {  	s4 =	simm.s32 $_scs_section_size  }
0x9a: {  	s5 =	simm.s32 $_size__tile_overlayer_lowered;
	s6 =	simm.s32 $_tile_overlayer_lowered  }
0x9b: {  	s22 =	simm.s32 $0x1BFF;
	s21 =	sshll.u32 s6, $0x1;
	s3 =	sadd.s32 s4, s19  }
0x9c: {  	s7 =	simm.s32 $0x0;
	s20 =	sshll.u32 s5, $0x1;
	s5 =	sadd.s32 s21, s3  }
0x9d: {  	[timem:s7], [sflag:s22] =	dma.local [hbm:s5], s20  }
0x9e: {  	_ =	swait.ge [sflag:s22], s20  }
0x9f: {  	s4 =	ssub.s32 $0x0, s20;
	[sflag:s22] =	ssyncset.done $0x0  }
0xa0: {  	[sflag:s22] =	ssyncadd.s32 s4;
	_ =	sdelay $0x1  }
0xa1: {  	s23 =	simm.s32 $0x1B8B  }
0xa2: {  	_ =	swait.ge [sflag:s23], $0x1  }
0xa3: {  	[sflag:s23] =	ssyncset.done $0x0  }
0xa4: {  	s25 =	simm.s32 $0x1B8E;
	s24 =	sld [smem:$0x3FFE];
	[sflag:s23] =	ssyncadd.s32 $0xFFFFFFFF  }
0xa5: {  	s26 =	simm.s32 $execute0_lowered;
	[smem:$0x3FD2] =	sst s25  }
0xa6: {  	s5 =	sshll.u32 s26, $0x1;
	_ =	strace $0x80000046;
	[dreg:$0x1] =	wrdreg $0xFFFFFFFF  }
0xa7: {  	s28 =	simm.s32 $_size_execute0_lowered;
	s3 =	sadd.s32 s3, s5;
	[dreg:$0x0] =	wrdreg $0x0  }
0xa8: {  	s5 =	sshll.u32 s28, $0x1;
	[dreg:$0x2] =	wrdreg s3  }
0xa9: {  	[dreg:$0x3] =	wrdreg s5  }
0xaa: {  	[dreg:$0x4] =	wrdreg $0xC0  }
0xab: {  	_ =	task [dreg:s7], $0x5FFFF  }
0xac: {  	[dreg:$0x1] =	wrdreg $0xFFFFFFFF  }
0xad: {  	[dreg:$0x0] =	wrdreg $0x60  }
0xae: {  	[dreg:$0x2] =	wrdreg s2  }
0xaf: {  	[dreg:$0x3] =	wrdreg s24  }
0xb0: {  	[dreg:$0x4] =	wrdreg $0x9  }
0xb1: {  	_ =	task.clear_ibuf [dreg:s7], $0x5FFFF;
	_ =	strace $0x90000046  }
0xb2: {  	s29 =	simm.s32 $0x9;
	_ =	strace $0x80000048  }
0xb3: {  	_ =	swait.ge [sflag:s29], $0x1  }
0xb4: {  	[sflag:s29] =	ssyncadd.s32 $0xFFFFFFFF  }
0xb5: {  	_ =	strace $0x90000048  }
0xb6: {  	_ =	sfence  }
0xb7: {  	s30 =	sld [smem:$0x0];
	_ =	sdelay $0x2  }
0xb8: {  	s31 =	sshll.u32 s1, $0xD;
	s1 =	sshrl.u32 s1, $0x2  }
0xb9: {  	s3 =	sand.u32 $0x4000, s31;
	s1 =	sadd.s32 s1, s30  }
0xba: {  	s0 =	sor.u32 s3, s0;
	s1 =	sshll.u32 s1, $0x11  }
0xbb: {  	s0 =	sor.u32 s1, s0  }
0xbc: {  	s0 =	sadd.s32 $0x8F2B, s0  }
0xbd: {  	[sflag:s0] =	ssyncadd.remote.s32 $0x1  }
0xbe: {  	_ =	sfence.sel $0xFFFF  }
0xbf: {  	[dreg:$0x0] =	wrdreg $0xFFFFFFFF;
	(pc) =	sbr.abs _section_cstart, $3  }
0xc0: {  	[dreg:$0x1] =	wrdreg $0xFFFFFFFF  }
0xc1: {  	_ =	task.clear_ibuf [dreg:s7], $0x2FFFF;
	_ =	strace $0x9FFFFFFF  }
0xc2: {  	(tm) =	ssettm $0x7FFFFFFF  }
0xc3: {  	_ =	shalt  }
tec
execute0_lowered:
.L_overlay_start_1:
0x0: {  	(tag) =	ssettag $0x1  }
0x1: {  	v0 =	vimm.s32 $0xFEDCBA98  }
0x2: {  	v1 =	vimm.s32 $0x76543210;
	v2 =	vimm.s32 $0xBA98FEDC;
	v3 =	vimm.s32 $0x32107654  }
0x3: {  	s4 =	rddreg [dreg:$0x0];
	v4 =	vimm.s32 $0xDCFE98BA;
	v5 =	vimm.s32 $0x54761032;
	v6 =	vimm.s32 $0xEFCDAB89  }
0x4: {  	s5 =	rddreg [dreg:$0x1];
	s1 =	simm.s32 $0x0;
	s3 =	srdreg.scid;
	v7 =	vimm.s32 $0x67452301;
	v0 =	vunpack.c.l.s4.s8 v0;
	v1 =	vunpack.c.l.s4.s8 v1  }
0x5: {  	s2 =	stileid.u32;
	s10 =	simm.s32 $0x0;
	s6 =	sand.u32 $0x1, s3;
	v2 =	vunpack.c.l.s4.s8 v2;
	v3 =	vunpack.c.l.s4.s8 v3;
	v4 =	vunpack.c.l.s4.s8 v4  }
0x6: {  	[smem:$0x7FF] =	sst s1;
	s7 =	sshll.u32 s2, $0xA;
	v5 =	vunpack.c.l.s4.s8 v5;
	v6 =	vunpack.c.l.s4.s8 v6;
	v7 =	vunpack.c.l.s4.s8 v7;
	s8 =	sshll.u32 s6, $0x9  }
0x7: {  	s3 =	sadd.s32 $0x400, s5;
	s6 =	ssub.s32 $0x2, s6;
	v0 =	vunpack.c.0.s8.s32 v0;
	v1 =	vunpack.c.0.s8.s32 v1;
	s7 =	sor.u32 s8, s7;
	v2 =	vunpack.c.0.s8.s32 v2  }
0x8: {  	_ =	strace $0x80000047;
	s9 =	sshrl.u32 s6, $0x1;
	v3 =	vunpack.c.0.s8.s32 v3;
	v4 =	vunpack.c.0.s8.s32 v4;
	v5 =	vunpack.c.0.s8.s32 v5;
	s8 =	sshll.u32 s7, $0x4  }
0x9: {  	v6 =	vunpack.c.0.s8.s32 v6;
	v7 =	vunpack.c.0.s8.s32 v7;
	s7 =	sshrl.u32 s7, $0x3;
	s6 =	ssub.s32 s6, s9;
	s9 =	simm.s32 $0x200;
	v0 =	vand.u32 $0xF, v0  }
0xa: {  	s5 =	sadd.s32 s8, s5;
	s4 =	sadd.s32 s4, s7;
	s6 =	smax.u32 s6, $0x1;
	v0 =	vcombine.low v0, v1;
	v1 =	vcombine.low v3, v2  }
0xb: {  	s7 =	simm.s32 $0x2;
	s8 =	simm.s32 $0x1;
	s5 =	sadd.s32 $0xF42800, s5;
	v2 =	vcombine.low v5, v4;
	v3 =	vcombine.low v7, v6  }
.LBB2_1:
0xc: {  	[tilespmem:s1], [sflag:$0x2] =	stream.linear.gather [hbm4b:s4+s1], $0x200, $0x38;
	[tilespmem:$0x10200] =	vst v63  }
0xd: {  	_ =	swait.ge [sflag:s7], $0x200  }
0xe: {  	[sflag:s7] =	ssyncset.done $0x0  }
0xf: {  	[sflag:s7] =	ssyncadd.s32 $0xFFFFFE00  }
0x10: {  	v4 =	vld [tilespmem:s1+$0x0];
	_ =	sdelay $0x4  }
0x11: {  	v4 =	vshll.u32 v4, $0x4  }
0x12: {  	(v2sf) =	vpush v4, $0x0  }
0x13: {  	(v2sf) =	vpush v4, $0x1  }
0x14: {  	(v2sf) =	vpush v4, $0x2;
	_ =	sdelay $0x1  }
0x15: {  	(v2sf) =	vpush v4, $0x3;
	_ =	sdelay $0x1  }
0x16: {  	(v2sf) =	vpush v4, $0x4;
	_ =	sdelay $0x1  }
0x17: {  	(v2sf) =	vpush v4, $0x5;
	_ =	sdelay $0x1  }
0x18: {  	(v2sf) =	vpush v4, $0x6  }
0x19: {  	s13 =	simm.s32 $0x380;
	s14 =	simm.s32 $0x400  }
0x1a: {  	s11 =	simm.s32 $0x880;
	s15 =	simm.s32 $0x200;
	s16 =	simm.s32 $0x280;
	(v2sf) =	vpush v4, $0x7  }
0x1b: {  	s17 =	simm.s32 $0x300;
	s18 =	simm.s32 $0x480;
	s12 =	simm.s32 $0x800  }
0x1c: {  	s19 =	simm.s32 $0x680;
	s20 =	simm.s32 $0x700;
	s21 =	simm.s32 $0x780;
	(v2sf) =	vpush v4, $0x8  }
0x1d: {  	s22 =	simm.s32 $0x500;
	s23 =	simm.s32 $0x600;
	s24 =	spop (v2sf)  }
0x1e: {  	s25 =	simm.s32 $0x580;
	(v2sf) =	vpush v4, $0x9;
	s24 =	sand.u32 $0x1FFFFFF0, s24;
	s26 =	spop (v2sf)  }
0x1f: {  	s24 =	sadd.s32 s3, s24;
	s26 =	sand.u32 $0x1FFFFFF0, s26;
	s28 =	spop (v2sf)  }
0x20: {  	(v2sf) =	vpush v4, $0xA;
	[tilespmem:s15], [sflag:$0x1] =	stream.linear.gather [hbm4b:s24+s1], $0x80, $0x38;
	[tilespmem:$0x10200] =	vst v63  }
0x21: {  	s26 =	sadd.s32 s3, s26;
	s28 =	sand.u32 $0x1FFFFFF0, s28;
	s29 =	spop (v2sf)  }
0x22: {  	(v2sf) =	vpush v4, $0xB;
	[tilespmem:s16], [sflag:$0x1] =	stream.linear.gather [hbm4b:s26+s1], $0x80, $0x38;
	[tilespmem:$0x10200] =	vst v63  }
0x23: {  	s30 =	sadd.s32 s3, s28;
	s31 =	sand.u32 $0x1FFFFFF0, s29;
	s0 =	spop (v2sf)  }
0x24: {  	(v2sf) =	vpush v4, $0xC;
	[tilespmem:s17], [sflag:$0x1] =	stream.linear.gather [hbm4b:s30+s1], $0x80, $0x38;
	[tilespmem:$0x10200] =	vst v63  }
0x25: {  	s16 =	sadd.s32 s3, s31;
	s24 =	spop (v2sf);
	s17 =	sand.u32 $0x1FFFFFF0, s0  }
0x26: {  	(v2sf) =	vpush v4, $0xD;
	[tilespmem:s13], [sflag:$0x1] =	stream.linear.gather [hbm4b:s16+s1], $0x80, $0x38;
	[tilespmem:$0x10200] =	vst v63  }
0x27: {  	s28 =	sand.u32 $0x1FFFFFF0, s24;
	s29 =	spop (v2sf);
	s26 =	sadd.s32 s3, s17  }
0x28: {  	(v2sf) =	vpush v4, $0xE;
	[tilespmem:s14], [sflag:$0x1] =	stream.linear.gather [hbm4b:s26+s1], $0x80, $0x38;
	[tilespmem:$0x10200] =	vst v63  }
0x29: {  	s30 =	sadd.s32 s3, s28;
	s31 =	sand.u32 $0x1FFFFFF0, s29;
	s0 =	spop (v2sf)  }
0x2a: {  	(v2sf) =	vpush v4, $0xF;
	[tilespmem:s18], [sflag:$0x1] =	stream.linear.gather [hbm4b:s30+s1], $0x80, $0x38;
	[tilespmem:$0x10200] =	vst v63  }
0x2b: {  	s17 =	spop (v2sf);
	s16 =	sand.u32 $0x1FFFFFF0, s0;
	s14 =	sadd.s32 s3, s31  }
0x2c: {  	[tilespmem:s22], [sflag:$0x1] =	stream.linear.gather [hbm4b:s14+s1], $0x80, $0x38;
	[tilespmem:$0x10200] =	vst v63  }
0x2d: {  	s18 =	sadd.s32 s3, s16;
	s22 =	sand.u32 $0x1FFFFFF0, s17;
	s24 =	spop (v2sf)  }
0x2e: {  	[tilespmem:s25], [sflag:$0x1] =	stream.linear.gather [hbm4b:s18+s1], $0x80, $0x38;
	[tilespmem:$0x10200] =	vst v63  }
0x2f: {  	s26 =	sadd.s32 s3, s22;
	s28 =	sand.u32 $0x1FFFFFF0, s24;
	s29 =	spop (v2sf)  }
0x30: {  	[tilespmem:s23], [sflag:$0x1] =	stream.linear.gather [hbm4b:s26+s1], $0x80, $0x38;
	[tilespmem:$0x10200] =	vst v63  }
0x31: {  	s30 =	sadd.s32 s3, s28;
	s31 =	sand.u32 $0x1FFFFFF0, s29;
	s0 =	spop (v2sf)  }
0x32: {  	[tilespmem:s19], [sflag:$0x1] =	stream.linear.gather [hbm4b:s30+s1], $0x80, $0x38;
	[tilespmem:$0x10200] =	vst v63  }
0x33: {  	s14 =	sadd.s32 s3, s31;
	s15 =	sand.u32 $0x1FFFFFF0, s0;
	s16 =	spop (v2sf)  }
0x34: {  	[tilespmem:s20], [sflag:$0x1] =	stream.linear.gather [hbm4b:s14+s1], $0x80, $0x38;
	[tilespmem:$0x10200] =	vst v63  }
0x35: {  	s17 =	sadd.s32 s3, s15;
	s18 =	sand.u32 $0x1FFFFFF0, s16;
	s19 =	spop (v2sf)  }
0x36: {  	[tilespmem:s21], [sflag:$0x1] =	stream.linear.gather [hbm4b:s17+s1], $0x80, $0x38;
	[tilespmem:$0x10200] =	vst v63  }
0x37: {  	s22 =	spop (v2sf);
	s20 =	sadd.s32 s3, s18;
	s21 =	sand.u32 $0x1FFFFFF0, s19  }
0x38: {  	[tilespmem:s12], [sflag:$0x1] =	stream.linear.gather [hbm4b:s20+s1], $0x80, $0x38;
	[tilespmem:$0x10200] =	vst v63  }
0x39: {  	s24 =	sand.u32 $0x1FFFFFF0, s22;
	s25 =	spop (v2sf);
	s23 =	sadd.s32 s3, s21  }
0x3a: {  	[tilespmem:s11], [sflag:$0x1] =	stream.linear.gather [hbm4b:s23+s1], $0x80, $0x38;
	[tilespmem:$0x10200] =	vst v63  }
0x3b: {  	s26 =	simm.s32 $0x900;
	s28 =	sadd.s32 s3, s24;
	s29 =	sand.u32 $0x1FFFFFF0, s25  }
0x3c: {  	[tilespmem:s26], [sflag:$0x1] =	stream.linear.gather [hbm4b:s28+s1], $0x80, $0x38;
	[tilespmem:$0x10200] =	vst v63  }
0x3d: {  	s30 =	simm.s32 $0x980;
	s31 =	sadd.s32 s3, s29  }
0x3e: {  	[tilespmem:s30], [sflag:$0x1] =	stream.linear.gather [hbm4b:s31+s1], $0x80, $0x38;
	[tilespmem:$0x10200] =	vst v63  }
0x3f: {  	_ =	swait.ge [sflag:s8], $0x80  }
0x40: {  	[sflag:s8] =	ssyncset.done $0x0  }
0x41: {  	[sflag:s8] =	ssyncadd.s32 $0xFFFFFF80  }
0x42: {  	_ =	swait.ge [sflag:s8], $0x80  }
0x43: {  	[sflag:s8] =	ssyncset.done $0x0  }
0x44: {  	[sflag:s8] =	ssyncadd.s32 $0xFFFFFF80  }
0x45: {  	_ =	swait.ge [sflag:s8], $0x80  }
0x46: {  	[sflag:s8] =	ssyncset.done $0x0  }
0x47: {  	[sflag:s8] =	ssyncadd.s32 $0xFFFFFF80  }
0x48: {  	_ =	swait.ge [sflag:s8], $0x80  }
0x49: {  	[sflag:s8] =	ssyncset.done $0x0  }
0x4a: {  	[sflag:s8] =	ssyncadd.s32 $0xFFFFFF80  }
0x4b: {  	_ =	swait.ge [sflag:s8], $0x80  }
0x4c: {  	[sflag:s8] =	ssyncset.done $0x0  }
0x4d: {  	[sflag:s8] =	ssyncadd.s32 $0xFFFFFF80  }
0x4e: {  	_ =	swait.ge [sflag:s8], $0x80  }
0x4f: {  	[sflag:s8] =	ssyncset.done $0x0  }
0x50: {  	[sflag:s8] =	ssyncadd.s32 $0xFFFFFF80  }
0x51: {  	_ =	swait.ge [sflag:s8], $0x80  }
0x52: {  	[sflag:s8] =	ssyncset.done $0x0  }
0x53: {  	[sflag:s8] =	ssyncadd.s32 $0xFFFFFF80  }
0x54: {  	_ =	swait.ge [sflag:s8], $0x80  }
0x55: {  	[sflag:s8] =	ssyncset.done $0x0  }
0x56: {  	[sflag:s8] =	ssyncadd.s32 $0xFFFFFF80  }
0x57: {  	_ =	swait.ge [sflag:s8], $0x80  }
0x58: {  	[sflag:s8] =	ssyncset.done $0x0  }
0x59: {  	[sflag:s8] =	ssyncadd.s32 $0xFFFFFF80  }
0x5a: {  	_ =	swait.ge [sflag:s8], $0x80  }
0x5b: {  	[sflag:s8] =	ssyncset.done $0x0  }
0x5c: {  	[sflag:s8] =	ssyncadd.s32 $0xFFFFFF80  }
0x5d: {  	_ =	swait.ge [sflag:s8], $0x80  }
0x5e: {  	[sflag:s8] =	ssyncset.done $0x0  }
0x5f: {  	[sflag:s8] =	ssyncadd.s32 $0xFFFFFF80  }
0x60: {  	_ =	swait.ge [sflag:s8], $0x80  }
0x61: {  	[sflag:s8] =	ssyncset.done $0x0  }
0x62: {  	[sflag:s8] =	ssyncadd.s32 $0xFFFFFF80  }
0x63: {  	_ =	swait.ge [sflag:s8], $0x80  }
0x64: {  	[sflag:s8] =	ssyncset.done $0x0  }
0x65: {  	[sflag:s8] =	ssyncadd.s32 $0xFFFFFF80  }
0x66: {  	_ =	swait.ge [sflag:s8], $0x80  }
0x67: {  	s12 =	simm.s32 $0x0;
	s11 =	simm.s32 $0x2000;
	[sflag:s8] =	ssyncset.done $0x0  }
.LBB2_2:
0x68: {  	p0 =	sne.s32 s11, $0x3E000;
	[sflag:s8] =	ssyncadd.s32 $0xFFFFFF80;
	s12 =	sadd.s32 $0x10, s12  }
0x69: {  	s13 =	smov.u32 s11;
	s11 =	sadd.s32 $0x2000, s11;
	_ =	swait.ge [sflag:s8], $0x80  }
0x6a: {  	[sflag:s8] =	ssyncset.done $0x0  }
0x6b: {  	[sflag:s8] =	ssyncadd.s32 $0xFFFFFF80  }
0x6c: {  	_ =	swait.ge [sflag:s8], $0x80  }
0x6d: {  	[sflag:s8] =	ssyncset.done $0x0  }
0x6e: {  	[sflag:s8] =	ssyncadd.s32 $0xFFFFFF80  }
0x6f: {  	v4 =	vld [tilespmem:s12+$0x0];
	_ =	sdelay $0x4  }
0x70: {  	v4 =	vshll.u32 v4, $0x4  }
0x71: {  	(v2sf) =	vpush v4, $0x0  }
0x72: {  	(v2sf) =	vpush v4, $0x1  }
0x73: {  	(v2sf) =	vpush v4, $0x2;
	_ =	sdelay $0x1  }
0x74: {  	(v2sf) =	vpush v4, $0x3;
	_ =	sdelay $0x1  }
0x75: {  	(v2sf) =	vpush v4, $0x4;
	_ =	sdelay $0x1  }
0x76: {  	(v2sf) =	vpush v4, $0x5;
	_ =	sdelay $0x1  }
0x77: {  	s13 =	sshra.s32 s13, $0x2;
	(v2sf) =	vpush v4, $0x6  }
0x78: {  	s21 =	sadd.s32 $0x380, s13;
	s22 =	sadd.s32 $0x400, s13;
	s15 =	sadd.s32 $0x880, s13  }
0x79: {  	s23 =	sadd.s32 $0x200, s13;
	s24 =	sadd.s32 $0x280, s13;
	s25 =	sadd.s32 $0x300, s13;
	(v2sf) =	vpush v4, $0x7  }
0x7a: {  	s14 =	simm.s32 $0x0;
	s26 =	sadd.s32 $0x480, s13;
	s16 =	sadd.s32 $0x800, s13  }
0x7b: {  	s19 =	sadd.s32 $0x680, s13;
	s18 =	sadd.s32 $0x700, s13;
	s17 =	sadd.s32 $0x780, s13;
	(v2sf) =	vpush v4, $0x8  }
0x7c: {  	s28 =	sadd.s32 $0x500, s13;
	s20 =	sadd.s32 $0x600, s13;
	s29 =	spop (v2sf)  }
0x7d: {  	s30 =	sadd.s32 $0x580, s13;
	s29 =	sand.u32 $0x1FFFFFF0, s29;
	s31 =	spop (v2sf);
	(v2sf) =	vpush v4, $0x9  }
0x7e: {  	s29 =	sadd.s32 s3, s29;
	s31 =	sand.u32 $0x1FFFFFF0, s31;
	s0 =	spop (v2sf)  }
0x7f: {  	[tilespmem:s23], [sflag:$0x1] =	stream.linear.gather [hbm4b:s29+s14], $0x80, $0x38;
	(v2sf) =	vpush v4, $0xA;
	[tilespmem:$0x10200] =	vst v63  }
0x80: {  	s23 =	sadd.s32 s3, s31;
	s0 =	sand.u32 $0x1FFFFFF0, s0;
	s29 =	spop (v2sf)  }
0x81: {  	[tilespmem:s24], [sflag:$0x1] =	stream.linear.gather [hbm4b:s23+s14], $0x80, $0x38;
	(v2sf) =	vpush v4, $0xB;
	[tilespmem:$0x10200] =	vst v63  }
0x82: {  	s0 =	sadd.s32 s3, s0;
	s23 =	sand.u32 $0x1FFFFFF0, s29;
	s24 =	spop (v2sf)  }
0x83: {  	[tilespmem:s25], [sflag:$0x1] =	stream.linear.gather [hbm4b:s0+s14], $0x80, $0x38;
	(v2sf) =	vpush v4, $0xC;
	[tilespmem:$0x10200] =	vst v63  }
0x84: {  	s0 =	sadd.s32 s3, s23;
	s23 =	sand.u32 $0x1FFFFFF0, s24;
	s24 =	spop (v2sf)  }
0x85: {  	[tilespmem:s21], [sflag:$0x1] =	stream.linear.gather [hbm4b:s0+s14], $0x80, $0x38;
	(v2sf) =	vpush v4, $0xD;
	[tilespmem:$0x10200] =	vst v63  }
0x86: {  	s0 =	sadd.s32 s3, s23;
	s21 =	sand.u32 $0x1FFFFFF0, s24;
	s23 =	spop (v2sf)  }
0x87: {  	[tilespmem:s22], [sflag:$0x1] =	stream.linear.gather [hbm4b:s0+s14], $0x80, $0x38;
	(v2sf) =	vpush v4, $0xE;
	[tilespmem:$0x10200] =	vst v63  }
0x88: {  	s0 =	sadd.s32 s3, s21;
	s21 =	sand.u32 $0x1FFFFFF0, s23;
	s22 =	spop (v2sf)  }
0x89: {  	[tilespmem:s26], [sflag:$0x1] =	stream.linear.gather [hbm4b:s0+s14], $0x80, $0x38;
	(v2sf) =	vpush v4, $0xF;
	[tilespmem:$0x10200] =	vst v63  }
0x8a: {  	s0 =	sadd.s32 s3, s21;
	s21 =	sand.u32 $0x1FFFFFF0, s22;
	s22 =	spop (v2sf)  }
0x8b: {  	[tilespmem:s28], [sflag:$0x1] =	stream.linear.gather [hbm4b:s0+s14], $0x80, $0x38;
	[tilespmem:$0x10200] =	vst v63  }
0x8c: {  	s0 =	sadd.s32 s3, s21;
	s21 =	sand.u32 $0x1FFFFFF0, s22;
	s22 =	spop (v2sf)  }
0x8d: {  	[tilespmem:s30], [sflag:$0x1] =	stream.linear.gather [hbm4b:s0+s14], $0x80, $0x38;
	[tilespmem:$0x10200] =	vst v63  }
0x8e: {  	s0 =	sadd.s32 s3, s21;
	s21 =	sand.u32 $0x1FFFFFF0, s22;
	s22 =	spop (v2sf)  }
0x8f: {  	[tilespmem:s20], [sflag:$0x1] =	stream.linear.gather [hbm4b:s0+s14], $0x80, $0x38;
	[tilespmem:$0x10200] =	vst v63  }
0x90: {  	s0 =	sadd.s32 s3, s21;
	s20 =	sand.u32 $0x1FFFFFF0, s22;
	s21 =	spop (v2sf)  }
0x91: {  	[tilespmem:s19], [sflag:$0x1] =	stream.linear.gather [hbm4b:s0+s14], $0x80, $0x38;
	[tilespmem:$0x10200] =	vst v63  }
0x92: {  	s0 =	sadd.s32 s3, s20;
	s19 =	sand.u32 $0x1FFFFFF0, s21;
	s20 =	spop (v2sf)  }
0x93: {  	[tilespmem:s18], [sflag:$0x1] =	stream.linear.gather [hbm4b:s0+s14], $0x80, $0x38;
	[tilespmem:$0x10200] =	vst v63  }
0x94: {  	s0 =	sadd.s32 s3, s19;
	s18 =	sand.u32 $0x1FFFFFF0, s20;
	s19 =	spop (v2sf)  }
0x95: {  	[tilespmem:s17], [sflag:$0x1] =	stream.linear.gather [hbm4b:s0+s14], $0x80, $0x38;
	[tilespmem:$0x10200] =	vst v63  }
0x96: {  	s0 =	sadd.s32 s3, s18;
	s17 =	sand.u32 $0x1FFFFFF0, s19;
	s18 =	spop (v2sf)  }
0x97: {  	[tilespmem:s16], [sflag:$0x1] =	stream.linear.gather [hbm4b:s0+s14], $0x80, $0x38;
	[tilespmem:$0x10200] =	vst v63  }
0x98: {  	s0 =	sadd.s32 s3, s17;
	s16 =	sand.u32 $0x1FFFFFF0, s18;
	s17 =	spop (v2sf)  }
0x99: {  	[tilespmem:s15], [sflag:$0x1] =	stream.linear.gather [hbm4b:s0+s14], $0x80, $0x38;
	[tilespmem:$0x10200] =	vst v63  }
0x9a: {  	s0 =	sadd.s32 $0x900, s13;
	s15 =	sadd.s32 s3, s16;
	s16 =	sand.u32 $0x1FFFFFF0, s17  }
0x9b: {  	[tilespmem:s0], [sflag:$0x1] =	stream.linear.gather [hbm4b:s15+s14], $0x80, $0x38;
	[tilespmem:$0x10200] =	vst v63  }
0x9c: {  	s0 =	sadd.s32 $0x980, s13;
	s13 =	sadd.s32 s3, s16  }
0x9d: {  	[tilespmem:s0], [sflag:$0x1] =	stream.linear.gather [hbm4b:s13+s14], $0x80, $0x38;
	[tilespmem:$0x10200] =	vst v63  }
0x9e: {  	_ =	swait.ge [sflag:s8], $0x80  }
0x9f: {  	[sflag:s8] =	ssyncset.done $0x0  }
0xa0: {  	[sflag:s8] =	ssyncadd.s32 $0xFFFFFF80  }
0xa1: {  	_ =	swait.ge [sflag:s8], $0x80  }
0xa2: {  	[sflag:s8] =	ssyncset.done $0x0  }
0xa3: {  	[sflag:s8] =	ssyncadd.s32 $0xFFFFFF80  }
0xa4: {  	_ =	swait.ge [sflag:s8], $0x80  }
0xa5: {  	[sflag:s8] =	ssyncset.done $0x0  }
0xa6: {  	[sflag:s8] =	ssyncadd.s32 $0xFFFFFF80  }
0xa7: {  	_ =	swait.ge [sflag:s8], $0x80  }
0xa8: {  	[sflag:s8] =	ssyncset.done $0x0  }
0xa9: {  	[sflag:s8] =	ssyncadd.s32 $0xFFFFFF80  }
0xaa: {  	_ =	swait.ge [sflag:s8], $0x80  }
0xab: {  	[sflag:s8] =	ssyncset.done $0x0  }
0xac: {  	[sflag:s8] =	ssyncadd.s32 $0xFFFFFF80  }
0xad: {  	_ =	swait.ge [sflag:s8], $0x80  }
0xae: {  	[sflag:s8] =	ssyncset.done $0x0  }
0xaf: {  	[sflag:s8] =	ssyncadd.s32 $0xFFFFFF80  }
0xb0: {  	_ =	swait.ge [sflag:s8], $0x80  }
0xb1: {  	[sflag:s8] =	ssyncset.done $0x0  }
0xb2: {  	[sflag:s8] =	ssyncadd.s32 $0xFFFFFF80  }
0xb3: {  	_ =	swait.ge [sflag:s8], $0x80  }
0xb4: {  	[sflag:s8] =	ssyncset.done $0x0  }
0xb5: {  	[sflag:s8] =	ssyncadd.s32 $0xFFFFFF80  }
0xb6: {  	_ =	swait.ge [sflag:s8], $0x80  }
0xb7: {  	[sflag:s8] =	ssyncset.done $0x0  }
0xb8: {  	[sflag:s8] =	ssyncadd.s32 $0xFFFFFF80  }
0xb9: {  	_ =	swait.ge [sflag:s8], $0x80  }
0xba: {  	[sflag:s8] =	ssyncset.done $0x0  }
0xbb: {  	[sflag:s8] =	ssyncadd.s32 $0xFFFFFF80  }
0xbc: {  	_ =	swait.ge [sflag:s8], $0x80  }
0xbd: {  	[sflag:s8] =	ssyncset.done $0x0  }
0xbe: {  	[sflag:s8] =	ssyncadd.s32 $0xFFFFFF80  }
0xbf: {  	_ =	swait.ge [sflag:s8], $0x80  }
0xc0: {  	[sflag:s8] =	ssyncset.done $0x0  }
0xc1: {  	[sflag:s8] =	ssyncadd.s32 $0xFFFFFF80  }
.Ltmp0:
0xc2: {  	_ =	swait.ge [sflag:s8], $0x80;
	(pc) =	sbr.rel @p0 .LBB2_2-.Ltmp0, $4  }
0xc3: {  	[sflag:s8] =	ssyncset.done $0x0  }
0xc4: {  	[sflag:s8] =	ssyncadd.s32 $0xFFFFFF80  }
0xc5: {  	_ =	swait.ge [sflag:s8], $0x80  }
0xc6: {  	[sflag:s8] =	ssyncset.done $0x0  }
0xc7: {  	[sflag:s8] =	ssyncadd.s32 $0xFFFFFF80  }
0xc8: {  	_ =	swait.ge [sflag:s8], $0x80  }
0xc9: {  	[sflag:s8] =	ssyncset.done $0x0  }
0xca: {  	[sflag:s8] =	ssyncadd.s32 $0xFFFFFF80  }
0xcb: {  	_ =	swait.ge [sflag:s8], $0x80  }
0xcc: {  	[sflag:s8] =	ssyncset.done $0x0  }
0xcd: {  	s11 =	simm.s32 $0x0;
	[sflag:s8] =	ssyncadd.s32 $0xFFFFFF80  }
0xce: {  	v4 =	vld [tilespmem:s11+$0x210]  }
0xcf: {  	v5 =	vld [tilespmem:s11+$0x200];
	_ =	sdelay $0x1  }
0xd0: {  	v6 =	vld [tilespmem:s11+$0x220];
	_ =	sdelay $0x1  }
0xd1: {  	v7 =	vld [tilespmem:s11+$0x230]  }
0xd2: {  	v8 =	vmul.f32 v5, v5;
	v9 =	vmul.f32 v4, v4;
	_ =	sdelay $0x1  }
0xd3: {  	v62 =	vmul.f32 v6, v6;
	v8 =	vadd.f32 v9, v8;
	_ =	sdelay $0x1  }
0xd4: {  	v63 =	vmul.f32 v7, v7;
	v8 =	vadd.f32 v62, v8;
	_ =	sdelay $0x1  }
0xd5: {  	v8 =	vadd.f32 v63, v8;
	_ =	sdelay $0x1  }
0xd6: {  	v9 =	vperm.xlane v8, v0;
	_ =	sdelay $0x1  }
0xd7: {  	v8 =	vadd.f32 v8, v9;
	_ =	sdelay $0x1  }
0xd8: {  	v9 =	vperm.xlane v8, v1;
	_ =	sdelay $0x1  }
0xd9: {  	v8 =	vadd.f32 v8, v9;
	_ =	sdelay $0x1  }
0xda: {  	v9 =	vperm.xlane v8, v2;
	_ =	sdelay $0x1  }
0xdb: {  	v8 =	vadd.f32 v8, v9;
	_ =	sdelay $0x1  }
0xdc: {  	v9 =	vperm.xlane v8, v3;
	_ =	sdelay $0x1  }
0xdd: {  	v8 =	vadd.f32 v8, v9;
	_ =	sdelay $0x1  }
0xde: {  	v9 =	vshra.s32 v8, $0x1;
	v8 =	vmul.f32 $5.000000000e-01, v8  }
0xdf: {  	v9 =	vsub.s32 $0x5F3759DF, v9  }
0xe0: {  	v10 =	vmul.f32 v9, v8;
	_ =	sdelay $0x1  }
0xe1: {  	v10 =	vmul.f32 v9, v10;
	_ =	sdelay $0x1  }
0xe2: {  	v10 =	vsub.f32 $1.500000000e+00, v10;
	_ =	sdelay $0x1  }
0xe3: {  	v9 =	vmul.f32 v9, v10;
	_ =	sdelay $0x1  }
0xe4: {  	v10 =	vmul.f32 v9, v8;
	_ =	sdelay $0x1  }
0xe5: {  	v10 =	vmul.f32 v10, v9;
	_ =	sdelay $0x1  }
0xe6: {  	v10 =	vsub.f32 $1.500000000e+00, v10;
	_ =	sdelay $0x1  }
0xe7: {  	v9 =	vmul.f32 v10, v9;
	_ =	sdelay $0x1  }
0xe8: {  	v8 =	vmul.f32 v9, v8;
	_ =	sdelay $0x1  }
0xe9: {  	v8 =	vmul.f32 v8, v9;
	_ =	sdelay $0x1  }
0xea: {  	v8 =	vsub.f32 $1.500000000e+00, v8;
	_ =	sdelay $0x1  }
0xeb: {  	v8 =	vmul.f32 v8, v9;
	_ =	sdelay $0x1  }
0xec: {  	v8 =	vmin.f32 v8, $1.000000000e+00  }
0xed: {  	v5 =	vmul.f32 v8, v5  }
0xee: {  	v4 =	vmul.f32 v8, v4  }
0xef: {  	v6 =	vmul.f32 v8, v6;
	[tilespmem:s11+$0x200] =	vst v5  }
0xf0: {  	s13 =	simm.s32 $0x80;
	[tilespmem:s11+$0x210] =	vst v4;
	v5 =	vmul.f32 v8, v7  }
0xf1: {  	s12 =	simm.s32 $0x400;
	v4 =	vld [tilespmem:s13+$0x210];
	[tilespmem:s11+$0x220] =	vst v6  }
.LBB2_4:
0xf2: {  	p0 =	sne.s32 s12, $0x3FE00;
	v6 =	vld [tilespmem:s13+$0x200];
	[tilespmem:s11+$0x230] =	vst v5;
	s11 =	smov.u32 s13;
	_ =	sdelay $0x1  }
0xf3: {  	v5 =	vld [tilespmem:s11+$0x220];
	_ =	sdelay $0x1  }
0xf4: {  	v7 =	vld [tilespmem:s11+$0x230]  }
0xf5: {  	v9 =	vmul.f32 v4, v4;
	v8 =	vmul.f32 v6, v6;
	_ =	sdelay $0x1  }
0xf6: {  	v8 =	vadd.f32 v9, v8;
	v9 =	vmul.f32 v5, v5;
	_ =	sdelay $0x1  }
0xf7: {  	v8 =	vadd.f32 v9, v8;
	v9 =	vmul.f32 v7, v7;
	_ =	sdelay $0x1  }
0xf8: {  	v8 =	vadd.f32 v9, v8;
	_ =	sdelay $0x1  }
0xf9: {  	v9 =	vperm.xlane v8, v0;
	_ =	sdelay $0x1  }
0xfa: {  	v8 =	vadd.f32 v8, v9;
	_ =	sdelay $0x1  }
0xfb: {  	v9 =	vperm.xlane v8, v1;
	_ =	sdelay $0x1  }
0xfc: {  	v8 =	vadd.f32 v8, v9;
	_ =	sdelay $0x1  }
0xfd: {  	v9 =	vperm.xlane v8, v2;
	_ =	sdelay $0x1  }
0xfe: {  	v8 =	vadd.f32 v8, v9;
	_ =	sdelay $0x1  }
0xff: {  	v9 =	vperm.xlane v8, v3;
	_ =	sdelay $0x1  }
0x100: {  	v8 =	vadd.f32 v8, v9;
	_ =	sdelay $0x1  }
0x101: {  	v9 =	vshra.s32 v8, $0x1;
	v8 =	vmul.f32 $5.000000000e-01, v8  }
0x102: {  	v9 =	vsub.s32 $0x5F3759DF, v9  }
0x103: {  	v10 =	vmul.f32 v9, v8;
	_ =	sdelay $0x1  }
0x104: {  	v10 =	vmul.f32 v9, v10;
	_ =	sdelay $0x1  }
0x105: {  	v10 =	vsub.f32 $1.500000000e+00, v10;
	_ =	sdelay $0x1  }
0x106: {  	v9 =	vmul.f32 v9, v10;
	_ =	sdelay $0x1  }
0x107: {  	v10 =	vmul.f32 v9, v8;
	_ =	sdelay $0x1  }
0x108: {  	v10 =	vmul.f32 v10, v9;
	_ =	sdelay $0x1  }
0x109: {  	v10 =	vsub.f32 $1.500000000e+00, v10;
	_ =	sdelay $0x1  }
0x10a: {  	v9 =	vmul.f32 v10, v9;
	_ =	sdelay $0x1  }
0x10b: {  	v8 =	vmul.f32 v9, v8;
	_ =	sdelay $0x1  }
0x10c: {  	v8 =	vmul.f32 v8, v9;
	_ =	sdelay $0x1  }
0x10d: {  	v8 =	vsub.f32 $1.500000000e+00, v8;
	_ =	sdelay $0x1  }
0x10e: {  	v8 =	vmul.f32 v8, v9;
	_ =	sdelay $0x1  }
0x10f: {  	v8 =	vmin.f32 v8, $1.000000000e+00  }
.Ltmp1:
0x110: {  	v6 =	vmul.f32 v8, v6;
	v4 =	vmul.f32 v8, v4;
	(pc) =	sbr.rel @p0 .LBB2_4-.Ltmp1, $4  }
0x111: {  	v9 =	vmul.f32 v8, v5;
	v5 =	vmul.f32 v8, v7  }
0x112: {  	[tilespmem:s11+$0x200] =	vst v6  }
0x113: {  	s13 =	sshra.s32 s12, $0x2;
	[tilespmem:s11+$0x210] =	vst v4  }
0x114: {  	s12 =	sadd.s32 $0x200, s12;
	v4 =	vld [tilespmem:s13+$0x210];
	[tilespmem:s11+$0x220] =	vst v9  }
0x115: {  	v6 =	vld [tilespmem:s13+$0x200]  }
0x116: {  	[tilespmem:s11+$0x230] =	vst v5  }
0x117: {  	v5 =	vld [tilespmem:s13+$0x220];
	_ =	sdelay $0x1  }
0x118: {  	v7 =	vld [tilespmem:s13+$0x230]  }
0x119: {  	v9 =	vmul.f32 v4, v4;
	v8 =	vmul.f32 v6, v6;
	_ =	sdelay $0x1  }
0x11a: {  	v61 =	vmul.f32 v5, v5;
	v8 =	vadd.f32 v9, v8;
	_ =	sdelay $0x1  }
0x11b: {  	v62 =	vmul.f32 v7, v7;
	v8 =	vadd.f32 v61, v8;
	_ =	sdelay $0x1  }
0x11c: {  	v8 =	vadd.f32 v62, v8;
	_ =	sdelay $0x1  }
0x11d: {  	v9 =	vperm.xlane v8, v0;
	_ =	sdelay $0x1  }
0x11e: {  	v8 =	vadd.f32 v8, v9;
	_ =	sdelay $0x1  }
0x11f: {  	v9 =	vperm.xlane v8, v1;
	_ =	sdelay $0x1  }
0x120: {  	v8 =	vadd.f32 v8, v9;
	_ =	sdelay $0x1  }
0x121: {  	v9 =	vperm.xlane v8, v2;
	_ =	sdelay $0x1  }
0x122: {  	v8 =	vadd.f32 v8, v9;
	_ =	sdelay $0x1  }
0x123: {  	v9 =	vperm.xlane v8, v3;
	_ =	sdelay $0x1  }
0x124: {  	v8 =	vadd.f32 v8, v9;
	_ =	sdelay $0x1  }
0x125: {  	v9 =	vshra.s32 v8, $0x1;
	v8 =	vmul.f32 $5.000000000e-01, v8  }
0x126: {  	v9 =	vsub.s32 $0x5F3759DF, v9  }
0x127: {  	v10 =	vmul.f32 v9, v8;
	_ =	sdelay $0x1  }
0x128: {  	v10 =	vmul.f32 v9, v10;
	_ =	sdelay $0x1  }
0x129: {  	v10 =	vsub.f32 $1.500000000e+00, v10;
	_ =	sdelay $0x1  }
0x12a: {  	v9 =	vmul.f32 v9, v10;
	_ =	sdelay $0x1  }
0x12b: {  	v10 =	vmul.f32 v9, v8;
	_ =	sdelay $0x1  }
0x12c: {  	v10 =	vmul.f32 v10, v9;
	_ =	sdelay $0x1  }
0x12d: {  	v10 =	vsub.f32 $1.500000000e+00, v10;
	_ =	sdelay $0x1  }
0x12e: {  	v9 =	vmul.f32 v10, v9;
	_ =	sdelay $0x1  }
0x12f: {  	v8 =	vmul.f32 v9, v8;
	_ =	sdelay $0x1  }
0x130: {  	v8 =	vmul.f32 v8, v9;
	_ =	sdelay $0x1  }
0x131: {  	v8 =	vsub.f32 $1.500000000e+00, v8;
	_ =	sdelay $0x1  }
0x132: {  	v8 =	vmul.f32 v8, v9;
	_ =	sdelay $0x1  }
0x133: {  	v8 =	vmin.f32 v8, $1.000000000e+00  }
0x134: {  	v6 =	vmul.f32 v8, v6  }
0x135: {  	v4 =	vmul.f32 v8, v4  }
0x136: {  	v5 =	vmul.f32 v8, v5;
	[tilespmem:s13+$0x200] =	vst v6  }
0x137: {  	s10 =	sadd.s32 $0x1, s10;
	v63 =	vmul.f32 v8, v7;
	[tilespmem:s13+$0x210] =	vst v4  }
0x138: {  	p0 =	sne.s32 s10, s6;
	[tilespmem:s13+$0x220] =	vst v5  }
.Ltmp2:
0x139: {  	[tilespmem:s13+$0x230] =	vst v63;
	(pc) =	sbr.rel @p0 .LBB2_1-.Ltmp2, $4  }
0x13a: {  	[hbm4b:s5+s1] =	stream.linear.scatter [tilespmem:s9], [sflag:$0x2], $0x10000, $0x38;
	[tilespmem:$0x10200] =	vst v63  }
0x13b: {  	_ =	swait.ge [sflag:s7], $0x10000  }
0x13c: {  	[sflag:s7] =	ssyncset.done $0x0  }
0x13d: {  	[sflag:s7] =	ssyncadd.s32 $0xFFFF0000  }
0x13e: {  	_ =	sfence.sel $0x180000  }
0x13f: {  	[bflag:$0x0] =	sbarrier.arrive $0xFFFF  }
0x140: {  	_ =	strace $0x90000047  }
0x141: {  	[bflag:$0x2] =	sbarrier.arrive $0xFFFF  }
0x142: {  	p0 =	sne.s32 s2, $0x0;
	s0 =	rddreg [dreg:$0x2]  }
0x143: {  	s0 =	sadd.s32 @!p0 $0x100000, s0  }
0x144: {  	[sflag:s0] =	ssyncadd.tile.s32 @!p0 $0x1;
	_ =	shalt  }
.Lfunc_end2:
_tile_overlayer_lowered:
.L_overlay_start_2:
0x145: {  	(tag) =	ssettag $0x2  }
0x146: {  	s0 =	rddreg [dreg:$0x0];
	s2 =	stileid.u32  }
0x147: {  	s1 =	rddreg [dreg:$0x1];
	p0 =	sne.s32 s2, $0x0  }
0x148: {  	s3 =	rddreg [dreg:$0x2];
	[bflag:$0x3] =	sbarrier.arrive $0xFFFF;
	s2 =	simm.s32 @!p0 $0x1C02  }
0x149: {  	[timem:s3], [sflag:s2] =	dma.local @!p0 [hbm:s0], s1  }
0x14a: {  	s0 =	simm.s32 @!p0 $0x2  }
0x14b: {  	_ =	swait.ge @!p0 [sflag:s0], s1  }
0x14c: {  	s1 =	ssub.s32 @!p0 $0x0, s1;
	[sflag:s0] =	ssyncset.done @!p0 $0x0  }
0x14d: {  	[sflag:s0] =	ssyncadd.s32 @!p0 s1  }
0x14e: {  	[bflag:$0x3] =	sbarrier.arrive $0xFFFF  }
0x14f: {  	_ =	shalt  }

</sc_bundles>
